<compile_context>
chip_gen: v7x
topology: tpu7x:2x2x1
jax: 0.10.2.dev20260603
libtpu: 0.0.44.dev20260713+nightly
codegen_flags: <defaults>
</compile_context>

<pallas_src>
import jax
import jax.numpy as jnp
from jax import lax
from jax.experimental import pallas as pl
from jax.experimental.pallas import tpu as pltpu
from jax.experimental.pallas import tpu_sc as plsc

BATCH = 4096
HIST = 200
EMBED_DIM = 16
N = BATCH * HIST
VOCAB_ROWS = 1000000
NUM_CORES = 2
NUM_SUBCORES = 16
NW = NUM_CORES * NUM_SUBCORES

VTILES = VOCAB_ROWS // 128
TAIL = VOCAB_ROWS - VTILES * 128
CGRP = 12
CBLK = 128 * CGRP
NCBLK = VTILES // CGRP
CONV_PER_W = NCBLK // NW + 1

UNIT = 1024
NUNIT = N // UNIT
PER_W = NUNIT // NW


def _conv_body(tabt_hbm, aux_hbm, rm_hbm, in_bufs, w_bufs, aux_v, tail_w,
               sem_i, sem_o):
    wid = lax.axis_index("s") * NUM_CORES + lax.axis_index("c")
    lane = lax.iota(jnp.int32, 16)
    perms = [(lane + k) & 15 for k in range(16)]
    scats = [p * 16 + lane for p in perms]

    def in_copy(t):
        blk = wid + t * NW
        return pltpu.make_async_copy(
            tabt_hbm.at[:, pl.ds(blk * CBLK, CBLK)], in_bufs.at[t & 1], sem_i)

    def out_copy(t):
        blk = wid + t * NW
        return pltpu.make_async_copy(
            w_bufs.at[t & 1],
            rm_hbm.at[pl.ds(blk * CBLK * EMBED_DIM, CBLK * EMBED_DIM)], sem_o)

    in_copy(0).start()

    def step(t, carry):
        valid = wid + t * NW < NCBLK

        @pl.when(valid)
        def _():
            par = t & 1

            @pl.when(wid + (t + 1) * NW < NCBLK)
            def _():
                in_copy(t + 1).start()

            in_copy(t).wait()

            @pl.when(t >= 2)
            def _():
                out_copy(t - 2).wait()

            @plsc.parallel_loop(0, CBLK // 16, unroll=2)
            def _trans(g):
                c16 = g * 16
                s16 = g * 256
                for k in range(16):
                    v = plsc.load_gather(
                        in_bufs.at[par], [lane, perms[k] + c16])
                    plsc.store_scatter(
                        w_bufs, [lane * 0 + par, scats[k] + s16], v)

            out_copy(t).start()

        return carry

    lax.fori_loop(0, CONV_PER_W, step, 0)
    out_copy(0).wait()
    out_copy(1).wait()

    @pl.when(wid == 0)
    def _():
        pltpu.sync_copy(aux_hbm, aux_v)

        @plsc.parallel_loop(0, TAIL, unroll=8)
        def _row(r):
            v = plsc.load_gather(aux_v, [lane * 0 + r, lane])
            tail_w[pl.ds(r * 16, 16)] = v

        pltpu.sync_copy(
            tail_w, rm_hbm.at[pl.ds(VTILES * 2048, TAIL * EMBED_DIM)])


def _gather_body(tab_hbm, idx_hbm, out_hbm, idx_vs, g_bufs, w_bufs,
                 sem_i, sem_g, sem_w):
    wid = lax.axis_index("s") * NUM_CORES + lax.axis_index("c")
    lane = lax.iota(jnp.int32, 16)
    lane_part = (lane >> 3) * 8192 + (lane & 7) * 128

    def unit_off(t):
        u = wid + t * NW
        h = u >> 2
        q = u & 3
        return h * BATCH + q * UNIT, h * 65536 + q * 8192

    def idx_copy(t):
        src_off, _ = unit_off(t)
        return pltpu.make_async_copy(
            idx_hbm.at[pl.ds(src_off, UNIT)], idx_vs.at[t & 1], sem_i)

    def gather_copy(t):
        par = t & 1
        return pltpu.make_async_copy(
            tab_hbm.at[idx_vs.at[par]], g_bufs.at[par], sem_g)

    def write_copy(t, p):
        _, dst_off = unit_off(t)
        return pltpu.make_async_copy(
            w_bufs.at[t & 1, pl.ds(p * 8192, 8192)],
            out_hbm.at[pl.ds(dst_off + p * 32768, 8192)], sem_w)

    idx_copy(0).start()
    idx_copy(0).wait()
    gather_copy(0).start()
    idx_copy(1).start()

    def step(t, carry):
        par = t & 1

        @pl.when(t + 1 < PER_W)
        def _():
            idx_copy(t + 1).wait()
            gather_copy(t + 1).start()

        gather_copy(t).wait()

        @pl.when(t + 2 < PER_W)
        def _():
            idx_copy(t + 2).start()

        @pl.when(t >= 2)
        def _():
            write_copy(t - 2, 0).wait()
            write_copy(t - 2, 1).wait()

        @plsc.parallel_loop(0, UNIT, unroll=8)
        def _trans(m):
            g0 = m >> 4
            i_vec = (m & ~15) + ((lane + m) & 15)
            v = plsc.load_gather(g_bufs.at[par], [i_vec, lane])
            base = ((g0 >> 3) << 10) + ((g0 & 7) << 4)
            addr = lane_part + base + ((lane + m) & 15)
            plsc.store_scatter(w_bufs.at[par], [addr], v)

        write_copy(t, 0).start()
        write_copy(t, 1).start()
        return carry

    lax.fori_loop(0, PER_W, step, 0)
    write_copy(PER_W - 2, 0).wait()
    write_copy(PER_W - 2, 1).wait()
    write_copy(PER_W - 1, 0).wait()
    write_copy(PER_W - 1, 1).wait()


def kernel(embeddings, x):
    mesh = plsc.VectorSubcoreMesh(core_axis_name="c", subcore_axis_name="s")

    conv = pl.kernel(
        _conv_body,
        mesh=mesh,
        compiler_params=pltpu.CompilerParams(
            use_tc_tiling_on_sc=True, needs_layout_passes=False),
        out_type=jax.ShapeDtypeStruct((VOCAB_ROWS * EMBED_DIM,), jnp.float32),
        scratch_types=[
            pltpu.VMEM((2, EMBED_DIM, CBLK), jnp.float32),
            pltpu.VMEM((2, CBLK * EMBED_DIM), jnp.float32),
            pltpu.VMEM((TAIL, EMBED_DIM), jnp.float32),
            pltpu.VMEM((TAIL * EMBED_DIM,), jnp.float32),
            pltpu.SemaphoreType.DMA,
            pltpu.SemaphoreType.DMA,
        ],
    )
    rm_flat = conv(embeddings.T, embeddings[VTILES * 128:])
    rm = rm_flat.reshape(VOCAB_ROWS, EMBED_DIM)

    xt = x.T.reshape(-1).astype(jnp.int32)
    gather = pl.kernel(
        _gather_body,
        mesh=mesh,
        compiler_params=pltpu.CompilerParams(
            use_tc_tiling_on_sc=False, needs_layout_passes=False),
        out_type=jax.ShapeDtypeStruct((N * EMBED_DIM,), jnp.float32),
        scratch_types=[
            pltpu.VMEM((2, UNIT), jnp.int32),
            pltpu.VMEM((2, UNIT, EMBED_DIM), jnp.float32),
            pltpu.VMEM((2, UNIT * EMBED_DIM), jnp.float32),
            pltpu.SemaphoreType.DMA,
            pltpu.SemaphoreType.DMA,
            pltpu.SemaphoreType.DMA,
        ],
    )
    out_flat = gather(rm, xt)
    out5 = out_flat.reshape(HIST, 2, 32, 8, 128)
    return out5.transpose(2, 4, 0, 1, 3).reshape(BATCH, HIST, EMBED_DIM)

# --- scband reference (transcript-rebuilt; emitter-appended) ---
"""Pipeline reference for scband-svdembedding-50431505989836 (READ-ONLY COPY).

The authoritative reference and input builder live on the scoring server;
editing this copy changes nothing except your own understanding.
"""

import jax, jax.numpy as jnp
import numpy as np

VOCAB = 1000000
EMBED_DIM = 16
BATCH = 4096
HIST = 200

def setup_inputs(seed: int = 0) -> dict:
    key = jax.random.key(seed)
    k1, k2 = jax.random.split(key)
    embeddings = jax.random.normal(k1, (VOCAB, EMBED_DIM), dtype=jnp.float32)
    x = jax.random.randint(k2, (BATCH, HIST), 0, VOCAB, dtype=jnp.int64 if jax.config.read('jax_enable_x64') else jnp.int32)
    return {"embeddings": embeddings, "x": x}

def reference(embeddings, x):
    # SVDEmbedding.forward: self.embeddings[x]
    return jnp.take(embeddings, x, axis=0)

if __name__ == "__main__":
    import jax
    _d = setup_inputs()
    print(jax.jit(kernel)(*tuple(_d.values())))

</pallas_src>

<mosaic_0001>
#map = affine_map<(d0, d1) -> (0, 0)>
#map1 = affine_map<(d0, d1) -> (0)>
module attributes {stable_mosaic.version = 14 : i64} {
  func.func @_gather_body(%arg0: i32, %arg1: i32, %arg2: memref<1000000x16xf32, #tpu.memory_space<hbm>>, %arg3: memref<819200xi32, #tpu.memory_space<hbm>>, %arg4: memref<13107200xf32, #tpu.memory_space<hbm>>, %arg5: memref<2x1024xi32, #tpu.memory_space<vmem>>, %arg6: memref<2x1024x16xf32, #tpu.memory_space<vmem>>, %arg7: memref<2x16384xf32, #tpu.memory_space<vmem>>, %arg8: memref<!tpu.dma_semaphore, #tpu.memory_space<semaphore_mem>>, %arg9: memref<!tpu.dma_semaphore, #tpu.memory_space<semaphore_mem>>, %arg10: memref<!tpu.dma_semaphore, #tpu.memory_space<semaphore_mem>>) attributes {dimension_semantics = [#tpu.dimension_semantics<core_parallel>, #tpu.dimension_semantics<subcore_parallel>], iteration_bounds = array<i64: 2, 16>, scalar_prefetch = 0 : i64, scratch_operands = 6 : i64, tpu.core_type = #tpu.core_type<sc_vector_subcore>, window_params = [{transform_indices = #map}, {transform_indices = #map1}, {transform_indices = #map1}]} {
    %mul3A = arith.constant 2 : i32
    %mul3A_0 = arith.muli %arg1, %mul3A : i32
    %add3A = arith.addi %mul3A_0, %arg0 : i32
    %iota3A = tpu.iota {dimensions = array<i32: 0>} : vector<16xi32>
    %shift_right_arithmetic3A = arith.constant 3 : i32
    %shift_right_arithmetic3A_1 = vector.broadcast %shift_right_arithmetic3A : i32 to vector<16xi32>
    %shift_right_arithmetic3A_2 = arith.shrsi %iota3A, %shift_right_arithmetic3A_1 : vector<16xi32>
    %mul3A_3 = arith.constant 8192 : i32
    %mul3A_4 = vector.broadcast %mul3A_3 : i32 to vector<16xi32>
    %mul3A_5 = arith.muli %shift_right_arithmetic3A_2, %mul3A_4 : vector<16xi32>
    %and3A = arith.constant 7 : i32
    %and3A_6 = vector.broadcast %and3A : i32 to vector<16xi32>
    %and3A_7 = arith.andi %iota3A, %and3A_6 : vector<16xi32>
    %mul3A_8 = arith.constant 128 : i32
    %mul3A_9 = vector.broadcast %mul3A_8 : i32 to vector<16xi32>
    %mul3A_10 = arith.muli %and3A_7, %mul3A_9 : vector<16xi32>
    %add3A_11 = arith.addi %mul3A_5, %mul3A_10 : vector<16xi32>
    %add3A_12 = arith.constant 0 : i32
    %add3A_13 = arith.addi %add3A, %add3A_12 : i32
    %shift_right_arithmetic3A_14 = arith.constant 2 : i32
    %shift_right_arithmetic3A_15 = arith.shrsi %add3A_13, %shift_right_arithmetic3A_14 : i32
    %and3A_16 = arith.constant 3 : i32
    %and3A_17 = arith.andi %add3A_13, %and3A_16 : i32
    %mul3A_18 = arith.constant 4096 : i32
    %mul3A_19 = arith.muli %shift_right_arithmetic3A_15, %mul3A_18 : i32
    %mul3A_20 = arith.constant 1024 : i32
    %mul3A_21 = arith.muli %and3A_17, %mul3A_20 : i32
    %add3A_22 = arith.addi %mul3A_19, %mul3A_21 : i32
    %mul3A_23 = arith.constant 65536 : i32
    %mul3A_24 = arith.muli %shift_right_arithmetic3A_15, %mul3A_23 : i32
    %mul3A_25 = arith.constant 8192 : i32
    %mul3A_26 = arith.muli %and3A_17, %mul3A_25 : i32
    %add3A_27 = arith.addi %mul3A_24, %mul3A_26 : i32
    %dma_start3A = arith.constant 0 : i32
    %dma_start3A_28 = arith.constant 0 : i32
    %dma_start3A_29 = tpu.memref_slice %arg5[%dma_start3A, %dma_start3A_28] : memref<2x1024xi32, #tpu.memory_space<vmem>> -> memref<1x1024xi32, #tpu.memory_space<vmem>>
    %dma_start3A_30 = tpu.memref_squeeze %dma_start3A_29 : memref<1x1024xi32, #tpu.memory_space<vmem>> -> memref<1024xi32, #tpu.memory_space<vmem>>
    %dma_start3A_31 = tpu.memref_slice %arg3[%add3A_22] : memref<819200xi32, #tpu.memory_space<hbm>> -> memref<1024xi32, #tpu.memory_space<hbm>>
    %dma_start3A_32 = arith.constant 0 : i32
    %dma_start3A_33 = tpu.memref_slice %arg5[%dma_start3A, %dma_start3A_32] : memref<2x1024xi32, #tpu.memory_space<vmem>> -> memref<1x1024xi32, #tpu.memory_space<vmem>>
    %dma_start3A_34 = tpu.memref_squeeze %dma_start3A_33 : memref<1x1024xi32, #tpu.memory_space<vmem>> -> memref<1024xi32, #tpu.memory_space<vmem>>
    %dma_start3A_35 = tpu.memref_slice %arg3[%add3A_22] : memref<819200xi32, #tpu.memory_space<hbm>> -> memref<1024xi32, #tpu.memory_space<hbm>>
    tpu.enqueue_dma source(%dma_start3A_35 : memref<1024xi32, #tpu.memory_space<hbm>>) target(%dma_start3A_34 : memref<1024xi32, #tpu.memory_space<vmem>>) target_semaphore(%arg8 : memref<!tpu.dma_semaphore, #tpu.memory_space<semaphore_mem>>)
    %add3A_36 = arith.constant 0 : i32
    %add3A_37 = arith.addi %add3A, %add3A_36 : i32
    %shift_right_arithmetic3A_38 = arith.constant 2 : i32
    %shift_right_arithmetic3A_39 = arith.shrsi %add3A_37, %shift_right_arithmetic3A_38 : i32
    %and3A_40 = arith.constant 3 : i32
    %and3A_41 = arith.andi %add3A_37, %and3A_40 : i32
    %mul3A_42 = arith.constant 4096 : i32
    %mul3A_43 = arith.muli %shift_right_arithmetic3A_39, %mul3A_42 : i32
    %mul3A_44 = arith.constant 1024 : i32
    %mul3A_45 = arith.muli %and3A_41, %mul3A_44 : i32
    %add3A_46 = arith.addi %mul3A_43, %mul3A_45 : i32
    %mul3A_47 = arith.constant 65536 : i32
    %mul3A_48 = arith.muli %shift_right_arithmetic3A_39, %mul3A_47 : i32
    %mul3A_49 = arith.constant 8192 : i32
    %mul3A_50 = arith.muli %and3A_41, %mul3A_49 : i32
    %add3A_51 = arith.addi %mul3A_48, %mul3A_50 : i32
    %dma_wait3A = arith.constant 0 : i32
    %dma_wait3A_52 = arith.constant 0 : i32
    %dma_wait3A_53 = tpu.memref_slice %arg5[%dma_wait3A, %dma_wait3A_52] : memref<2x1024xi32, #tpu.memory_space<vmem>> -> memref<1x1024xi32, #tpu.memory_space<vmem>>
    %dma_wait3A_54 = tpu.memref_squeeze %dma_wait3A_53 : memref<1x1024xi32, #tpu.memory_space<vmem>> -> memref<1024xi32, #tpu.memory_space<vmem>>
    %dma_wait3A_55 = tpu.memref_slice %arg3[%add3A_46] : memref<819200xi32, #tpu.memory_space<hbm>> -> memref<1024xi32, #tpu.memory_space<hbm>>
    %dma_wait3A_56 = arith.constant 0 : i32
    %dma_wait3A_57 = tpu.memref_slice %arg5[%dma_wait3A, %dma_wait3A_56] : memref<2x1024xi32, #tpu.memory_space<vmem>> -> memref<1x1024xi32, #tpu.memory_space<vmem>>
    %dma_wait3A_58 = tpu.memref_squeeze %dma_wait3A_57 : memref<1x1024xi32, #tpu.memory_space<vmem>> -> memref<1024xi32, #tpu.memory_space<vmem>>
    %dma_wait3A_59 = tpu.memref_slice %arg3[%add3A_46] : memref<819200xi32, #tpu.memory_space<hbm>> -> memref<1024xi32, #tpu.memory_space<hbm>>
    tpu.wait_dma2 semaphore(%arg8 : memref<!tpu.dma_semaphore, #tpu.memory_space<semaphore_mem>>) src(%dma_wait3A_59 : memref<1024xi32, #tpu.memory_space<hbm>>) dst(%dma_wait3A_58 : memref<1024xi32, #tpu.memory_space<vmem>>)
    %dma_start3A_60 = arith.constant 0 : i32
    %dma_start3A_61 = arith.constant 0 : i32
    %dma_start3A_62 = arith.constant 0 : i32
    %dma_start3A_63 = arith.constant 0 : i32
    %dma_start3A_64 = tpu.memref_slice %arg6[%dma_start3A_61, %dma_start3A_62, %dma_start3A_63] : memref<2x1024x16xf32, #tpu.memory_space<vmem>> -> memref<1x1024x16xf32, #tpu.memory_space<vmem>>
    %dma_start3A_65 = tpu.memref_squeeze %dma_start3A_64 : memref<1x1024x16xf32, #tpu.memory_space<vmem>> -> memref<1024x16xf32, #tpu.memory_space<vmem>>
    %dma_start3A_66 = arith.constant 0 : i32
    %dma_start3A_67 = tpu.memref_slice %arg5[%dma_start3A_60, %dma_start3A_66] : memref<2x1024xi32, #tpu.memory_space<vmem>> -> memref<1x1024xi32, #tpu.memory_space<vmem>>
    %dma_start3A_68 = tpu.memref_squeeze %dma_start3A_67 : memref<1x1024xi32, #tpu.memory_space<vmem>> -> memref<1024xi32, #tpu.memory_space<vmem>>
    %dma_start3A_69 = arith.constant 0 : i32
    %dma_start3A_70 = arith.constant 0 : i32
    %dma_start3A_71 = tpu.memref_slice %arg2[%dma_start3A_69, %dma_start3A_70] : memref<1000000x16xf32, #tpu.memory_space<hbm>> -> memref<1000000x16xf32, #tpu.memory_space<hbm>>
    tpu.enqueue_indirect_dma source(%dma_start3A_71 : memref<1000000x16xf32, #tpu.memory_space<hbm>>) target(%dma_start3A_65 : memref<1024x16xf32, #tpu.memory_space<vmem>>) offsets(%dma_start3A_68 : memref<1024xi32, #tpu.memory_space<vmem>>) semaphore(%arg9 : memref<!tpu.dma_semaphore, #tpu.memory_space<semaphore_mem>>)
    %add3A_72 = arith.constant 32 : i32
    %add3A_73 = arith.addi %add3A, %add3A_72 : i32
    %shift_right_arithmetic3A_74 = arith.constant 2 : i32
    %shift_right_arithmetic3A_75 = arith.shrsi %add3A_73, %shift_right_arithmetic3A_74 : i32
    %and3A_76 = arith.constant 3 : i32
    %and3A_77 = arith.andi %add3A_73, %and3A_76 : i32
    %mul3A_78 = arith.constant 4096 : i32
    %mul3A_79 = arith.muli %shift_right_arithmetic3A_75, %mul3A_78 : i32
    %mul3A_80 = arith.constant 1024 : i32
    %mul3A_81 = arith.muli %and3A_77, %mul3A_80 : i32
    %add3A_82 = arith.addi %mul3A_79, %mul3A_81 : i32
    %mul3A_83 = arith.constant 65536 : i32
    %mul3A_84 = arith.muli %shift_right_arithmetic3A_75, %mul3A_83 : i32
    %mul3A_85 = arith.constant 8192 : i32
    %mul3A_86 = arith.muli %and3A_77, %mul3A_85 : i32
    %add3A_87 = arith.addi %mul3A_84, %mul3A_86 : i32
    %dma_start3A_88 = arith.constant 1 : i32
    %dma_start3A_89 = arith.constant 0 : i32
    %dma_start3A_90 = tpu.memref_slice %arg5[%dma_start3A_88, %dma_start3A_89] : memref<2x1024xi32, #tpu.memory_space<vmem>> -> memref<1x1024xi32, #tpu.memory_space<vmem>>
    %dma_start3A_91 = tpu.memref_squeeze %dma_start3A_90 : memref<1x1024xi32, #tpu.memory_space<vmem>> -> memref<1024xi32, #tpu.memory_space<vmem>>
    %dma_start3A_92 = tpu.memref_slice %arg3[%add3A_82] : memref<819200xi32, #tpu.memory_space<hbm>> -> memref<1024xi32, #tpu.memory_space<hbm>>
    %dma_start3A_93 = arith.constant 0 : i32
    %dma_start3A_94 = tpu.memref_slice %arg5[%dma_start3A_88, %dma_start3A_93] : memref<2x1024xi32, #tpu.memory_space<vmem>> -> memref<1x1024xi32, #tpu.memory_space<vmem>>
    %dma_start3A_95 = tpu.memref_squeeze %dma_start3A_94 : memref<1x1024xi32, #tpu.memory_space<vmem>> -> memref<1024xi32, #tpu.memory_space<vmem>>
    %dma_start3A_96 = tpu.memref_slice %arg3[%add3A_82] : memref<819200xi32, #tpu.memory_space<hbm>> -> memref<1024xi32, #tpu.memory_space<hbm>>
    tpu.enqueue_dma source(%dma_start3A_96 : memref<1024xi32, #tpu.memory_space<hbm>>) target(%dma_start3A_95 : memref<1024xi32, #tpu.memory_space<vmem>>) target_semaphore(%arg8 : memref<!tpu.dma_semaphore, #tpu.memory_space<semaphore_mem>>)
    %scan3A = arith.constant 0 : i32
    %scan3A_97 = arith.constant 0 : i32
    %scan3A_98 = arith.constant 25 : i32
    %scan3A_99 = arith.addi %scan3A_97, %scan3A_98 : i32
    %scan3A_100 = arith.constant 1 : i32
    scf.for %scan3A_210 = %scan3A_97 to %scan3A_99 step %scan3A_100  : i32 {
      %and3A_211 = arith.constant 1 : i32
      %and3A_212 = arith.andi %scan3A_210, %and3A_211 : i32
      %add3A_213 = arith.constant 1 : i32
      %add3A_214 = arith.addi %scan3A_210, %add3A_213 : i32
      %lt3A = arith.constant 25 : i32
      %lt3A_215 = arith.cmpi slt, %add3A_214, %lt3A : i32
      %convert_element_type3A = arith.extui %lt3A_215 : i1 to i32
      %cond3A = arith.constant 0 : i32
      %cond3A_216 = arith.cmpi ne, %convert_element_type3A, %cond3A : i32
      scf.if %cond3A_216 {
        %add3A_300 = arith.constant 1 : i32
        %add3A_301 = arith.addi %scan3A_210, %add3A_300 : i32
        %mul3A_302 = arith.constant 32 : i32
        %mul3A_303 = arith.muli %add3A_301, %mul3A_302 : i32
        %add3A_304 = arith.addi %add3A, %mul3A_303 : i32
        %shift_right_arithmetic3A_305 = arith.constant 2 : i32
        %shift_right_arithmetic3A_306 = arith.shrsi %add3A_304, %shift_right_arithmetic3A_305 : i32
        %and3A_307 = arith.constant 3 : i32
        %and3A_308 = arith.andi %add3A_304, %and3A_307 : i32
        %mul3A_309 = arith.constant 4096 : i32
        %mul3A_310 = arith.muli %shift_right_arithmetic3A_306, %mul3A_309 : i32
        %mul3A_311 = arith.constant 1024 : i32
        %mul3A_312 = arith.muli %and3A_308, %mul3A_311 : i32
        %add3A_313 = arith.addi %mul3A_310, %mul3A_312 : i32
        %mul3A_314 = arith.constant 65536 : i32
        %mul3A_315 = arith.muli %shift_right_arithmetic3A_306, %mul3A_314 : i32
        %mul3A_316 = arith.constant 8192 : i32
        %mul3A_317 = arith.muli %and3A_308, %mul3A_316 : i32
        %add3A_318 = arith.addi %mul3A_315, %mul3A_317 : i32
        %and3A_319 = arith.constant 1 : i32
        %and3A_320 = arith.andi %add3A_301, %and3A_319 : i32
        %dma_wait3A_321 = arith.constant 0 : i32
        %dma_wait3A_322 = tpu.memref_slice %arg5[%and3A_320, %dma_wait3A_321] : memref<2x1024xi32, #tpu.memory_space<vmem>> -> memref<1x1024xi32, #tpu.memory_space<vmem>>
        %dma_wait3A_323 = tpu.memref_squeeze %dma_wait3A_322 : memref<1x1024xi32, #tpu.memory_space<vmem>> -> memref<1024xi32, #tpu.memory_space<vmem>>
        %dma_wait3A_324 = tpu.memref_slice %arg3[%add3A_313] : memref<819200xi32, #tpu.memory_space<hbm>> -> memref<1024xi32, #tpu.memory_space<hbm>>
        %dma_wait3A_325 = arith.constant 0 : i32
        %dma_wait3A_326 = tpu.memref_slice %arg5[%and3A_320, %dma_wait3A_325] : memref<2x1024xi32, #tpu.memory_space<vmem>> -> memref<1x1024xi32, #tpu.memory_space<vmem>>
        %dma_wait3A_327 = tpu.memref_squeeze %dma_wait3A_326 : memref<1x1024xi32, #tpu.memory_space<vmem>> -> memref<1024xi32, #tpu.memory_space<vmem>>
        %dma_wait3A_328 = tpu.memref_slice %arg3[%add3A_313] : memref<819200xi32, #tpu.memory_space<hbm>> -> memref<1024xi32, #tpu.memory_space<hbm>>
        tpu.wait_dma2 semaphore(%arg8 : memref<!tpu.dma_semaphore, #tpu.memory_space<semaphore_mem>>) src(%dma_wait3A_328 : memref<1024xi32, #tpu.memory_space<hbm>>) dst(%dma_wait3A_327 : memref<1024xi32, #tpu.memory_space<vmem>>)
        %add3A_329 = arith.constant 1 : i32
        %add3A_330 = arith.addi %scan3A_210, %add3A_329 : i32
        %and3A_331 = arith.constant 1 : i32
        %and3A_332 = arith.andi %add3A_330, %and3A_331 : i32
        %dma_start3A_333 = arith.constant 0 : i32
        %dma_start3A_334 = arith.constant 0 : i32
        %dma_start3A_335 = tpu.memref_slice %arg6[%and3A_332, %dma_start3A_333, %dma_start3A_334] : memref<2x1024x16xf32, #tpu.memory_space<vmem>> -> memref<1x1024x16xf32, #tpu.memory_space<vmem>>
        %dma_start3A_336 = tpu.memref_squeeze %dma_start3A_335 : memref<1x1024x16xf32, #tpu.memory_space<vmem>> -> memref<1024x16xf32, #tpu.memory_space<vmem>>
        %dma_start3A_337 = arith.constant 0 : i32
        %dma_start3A_338 = tpu.memref_slice %arg5[%and3A_332, %dma_start3A_337] : memref<2x1024xi32, #tpu.memory_space<vmem>> -> memref<1x1024xi32, #tpu.memory_space<vmem>>
        %dma_start3A_339 = tpu.memref_squeeze %dma_start3A_338 : memref<1x1024xi32, #tpu.memory_space<vmem>> -> memref<1024xi32, #tpu.memory_space<vmem>>
        %dma_start3A_340 = arith.constant 0 : i32
        %dma_start3A_341 = arith.constant 0 : i32
        %dma_start3A_342 = tpu.memref_slice %arg2[%dma_start3A_340, %dma_start3A_341] : memref<1000000x16xf32, #tpu.memory_space<hbm>> -> memref<1000000x16xf32, #tpu.memory_space<hbm>>
        tpu.enqueue_indirect_dma source(%dma_start3A_342 : memref<1000000x16xf32, #tpu.memory_space<hbm>>) target(%dma_start3A_336 : memref<1024x16xf32, #tpu.memory_space<vmem>>) offsets(%dma_start3A_339 : memref<1024xi32, #tpu.memory_space<vmem>>) semaphore(%arg9 : memref<!tpu.dma_semaphore, #tpu.memory_space<semaphore_mem>>)
      } else {
      }
      %and3A_217 = arith.constant 1 : i32
      %and3A_218 = arith.andi %scan3A_210, %and3A_217 : i32
      %dma_wait3A_219 = arith.constant 0 : i32
      %dma_wait3A_220 = arith.constant 0 : i32
      %dma_wait3A_221 = tpu.memref_slice %arg6[%and3A_218, %dma_wait3A_219, %dma_wait3A_220] : memref<2x1024x16xf32, #tpu.memory_space<vmem>> -> memref<1x1024x16xf32, #tpu.memory_space<vmem>>
      %dma_wait3A_222 = tpu.memref_squeeze %dma_wait3A_221 : memref<1x1024x16xf32, #tpu.memory_space<vmem>> -> memref<1024x16xf32, #tpu.memory_space<vmem>>
      %dma_wait3A_223 = arith.constant 0 : i32
      %dma_wait3A_224 = tpu.memref_slice %arg5[%and3A_218, %dma_wait3A_223] : memref<2x1024xi32, #tpu.memory_space<vmem>> -> memref<1x1024xi32, #tpu.memory_space<vmem>>
      %dma_wait3A_225 = tpu.memref_squeeze %dma_wait3A_224 : memref<1x1024xi32, #tpu.memory_space<vmem>> -> memref<1024xi32, #tpu.memory_space<vmem>>
      %dma_wait3A_226 = arith.constant 0 : i32
      %dma_wait3A_227 = arith.constant 0 : i32
      %dma_wait3A_228 = tpu.memref_slice %arg2[%dma_wait3A_226, %dma_wait3A_227] : memref<1000000x16xf32, #tpu.memory_space<hbm>> -> memref<1000000x16xf32, #tpu.memory_space<hbm>>
      tpu.wait_indirect_dma semaphore(%arg9 : memref<!tpu.dma_semaphore, #tpu.memory_space<semaphore_mem>>) src(%dma_wait3A_228 : memref<1000000x16xf32, #tpu.memory_space<hbm>>) dst(%dma_wait3A_222 : memref<1024x16xf32, #tpu.memory_space<vmem>>)
      %add3A_229 = arith.constant 2 : i32
      %add3A_230 = arith.addi %scan3A_210, %add3A_229 : i32
      %lt3A_231 = arith.constant 25 : i32
      %lt3A_232 = arith.cmpi slt, %add3A_230, %lt3A_231 : i32
      %convert_element_type3A_233 = arith.extui %lt3A_232 : i1 to i32
      %cond3A_234 = arith.constant 0 : i32
      %cond3A_235 = arith.cmpi ne, %convert_element_type3A_233, %cond3A_234 : i32
      scf.if %cond3A_235 {
        %add3A_300 = arith.constant 2 : i32
        %add3A_301 = arith.addi %scan3A_210, %add3A_300 : i32
        %mul3A_302 = arith.constant 32 : i32
        %mul3A_303 = arith.muli %add3A_301, %mul3A_302 : i32
        %add3A_304 = arith.addi %add3A, %mul3A_303 : i32
        %shift_right_arithmetic3A_305 = arith.constant 2 : i32
        %shift_right_arithmetic3A_306 = arith.shrsi %add3A_304, %shift_right_arithmetic3A_305 : i32
        %and3A_307 = arith.constant 3 : i32
        %and3A_308 = arith.andi %add3A_304, %and3A_307 : i32
        %mul3A_309 = arith.constant 4096 : i32
        %mul3A_310 = arith.muli %shift_right_arithmetic3A_306, %mul3A_309 : i32
        %mul3A_311 = arith.constant 1024 : i32
        %mul3A_312 = arith.muli %and3A_308, %mul3A_311 : i32
        %add3A_313 = arith.addi %mul3A_310, %mul3A_312 : i32
        %mul3A_314 = arith.constant 65536 : i32
        %mul3A_315 = arith.muli %shift_right_arithmetic3A_306, %mul3A_314 : i32
        %mul3A_316 = arith.constant 8192 : i32
        %mul3A_317 = arith.muli %and3A_308, %mul3A_316 : i32
        %add3A_318 = arith.addi %mul3A_315, %mul3A_317 : i32
        %and3A_319 = arith.constant 1 : i32
        %and3A_320 = arith.andi %add3A_301, %and3A_319 : i32
        %dma_start3A_321 = arith.constant 0 : i32
        %dma_start3A_322 = tpu.memref_slice %arg5[%and3A_320, %dma_start3A_321] : memref<2x1024xi32, #tpu.memory_space<vmem>> -> memref<1x1024xi32, #tpu.memory_space<vmem>>
        %dma_start3A_323 = tpu.memref_squeeze %dma_start3A_322 : memref<1x1024xi32, #tpu.memory_space<vmem>> -> memref<1024xi32, #tpu.memory_space<vmem>>
        %dma_start3A_324 = tpu.memref_slice %arg3[%add3A_313] : memref<819200xi32, #tpu.memory_space<hbm>> -> memref<1024xi32, #tpu.memory_space<hbm>>
        %dma_start3A_325 = arith.constant 0 : i32
        %dma_start3A_326 = tpu.memref_slice %arg5[%and3A_320, %dma_start3A_325] : memref<2x1024xi32, #tpu.memory_space<vmem>> -> memref<1x1024xi32, #tpu.memory_space<vmem>>
        %dma_start3A_327 = tpu.memref_squeeze %dma_start3A_326 : memref<1x1024xi32, #tpu.memory_space<vmem>> -> memref<1024xi32, #tpu.memory_space<vmem>>
        %dma_start3A_328 = tpu.memref_slice %arg3[%add3A_313] : memref<819200xi32, #tpu.memory_space<hbm>> -> memref<1024xi32, #tpu.memory_space<hbm>>
        tpu.enqueue_dma source(%dma_start3A_328 : memref<1024xi32, #tpu.memory_space<hbm>>) target(%dma_start3A_327 : memref<1024xi32, #tpu.memory_space<vmem>>) target_semaphore(%arg8 : memref<!tpu.dma_semaphore, #tpu.memory_space<semaphore_mem>>)
      } else {
      }
      %ge3A = arith.constant 2 : i32
      %ge3A_236 = arith.cmpi sge, %scan3A_210, %ge3A : i32
      %convert_element_type3A_237 = arith.extui %ge3A_236 : i1 to i32
      %cond3A_238 = arith.constant 0 : i32
      %cond3A_239 = arith.cmpi ne, %convert_element_type3A_237, %cond3A_238 : i32
      scf.if %cond3A_239 {
        %sub3A = arith.constant 2 : i32
        %sub3A_300 = arith.subi %scan3A_210, %sub3A : i32
        %mul3A_301 = arith.constant 32 : i32
        %mul3A_302 = arith.muli %sub3A_300, %mul3A_301 : i32
        %add3A_303 = arith.addi %add3A, %mul3A_302 : i32
        %shift_right_arithmetic3A_304 = arith.constant 2 : i32
        %shift_right_arithmetic3A_305 = arith.shrsi %add3A_303, %shift_right_arithmetic3A_304 : i32
        %and3A_306 = arith.constant 3 : i32
        %and3A_307 = arith.andi %add3A_303, %and3A_306 : i32
        %mul3A_308 = arith.constant 4096 : i32
        %mul3A_309 = arith.muli %shift_right_arithmetic3A_305, %mul3A_308 : i32
        %mul3A_310 = arith.constant 1024 : i32
        %mul3A_311 = arith.muli %and3A_307, %mul3A_310 : i32
        %add3A_312 = arith.addi %mul3A_309, %mul3A_311 : i32
        %mul3A_313 = arith.constant 65536 : i32
        %mul3A_314 = arith.muli %shift_right_arithmetic3A_305, %mul3A_313 : i32
        %mul3A_315 = arith.constant 8192 : i32
        %mul3A_316 = arith.muli %and3A_307, %mul3A_315 : i32
        %add3A_317 = arith.addi %mul3A_314, %mul3A_316 : i32
        %and3A_318 = arith.constant 1 : i32
        %and3A_319 = arith.andi %sub3A_300, %and3A_318 : i32
        %add3A_320 = arith.constant 0 : i32
        %add3A_321 = arith.addi %add3A_317, %add3A_320 : i32
        %dma_wait3A_322 = arith.constant 0 : i32
        %dma_wait3A_323 = tpu.memref_slice %arg7[%and3A_319, %dma_wait3A_322] : memref<2x16384xf32, #tpu.memory_space<vmem>> -> memref<1x8192xf32, #tpu.memory_space<vmem>>
        %dma_wait3A_324 = tpu.memref_squeeze %dma_wait3A_323 : memref<1x8192xf32, #tpu.memory_space<vmem>> -> memref<8192xf32, #tpu.memory_space<vmem>>
        %dma_wait3A_325 = tpu.memref_slice %arg4[%add3A_321] : memref<13107200xf32, #tpu.memory_space<hbm>> -> memref<8192xf32, #tpu.memory_space<hbm>>
        %dma_wait3A_326 = tpu.memref_slice %arg4[%add3A_321] : memref<13107200xf32, #tpu.memory_space<hbm>> -> memref<8192xf32, #tpu.memory_space<hbm>>
        %dma_wait3A_327 = arith.constant 0 : i32
        %dma_wait3A_328 = tpu.memref_slice %arg7[%and3A_319, %dma_wait3A_327] : memref<2x16384xf32, #tpu.memory_space<vmem>> -> memref<1x8192xf32, #tpu.memory_space<vmem>>
        %dma_wait3A_329 = tpu.memref_squeeze %dma_wait3A_328 : memref<1x8192xf32, #tpu.memory_space<vmem>> -> memref<8192xf32, #tpu.memory_space<vmem>>
        tpu.wait_dma2 semaphore(%arg10 : memref<!tpu.dma_semaphore, #tpu.memory_space<semaphore_mem>>) src(%dma_wait3A_329 : memref<8192xf32, #tpu.memory_space<vmem>>) dst(%dma_wait3A_326 : memref<8192xf32, #tpu.memory_space<hbm>>)
        %sub3A_330 = arith.constant 2 : i32
        %sub3A_331 = arith.subi %scan3A_210, %sub3A_330 : i32
        %mul3A_332 = arith.constant 32 : i32
        %mul3A_333 = arith.muli %sub3A_331, %mul3A_332 : i32
        %add3A_334 = arith.addi %add3A, %mul3A_333 : i32
        %shift_right_arithmetic3A_335 = arith.constant 2 : i32
        %shift_right_arithmetic3A_336 = arith.shrsi %add3A_334, %shift_right_arithmetic3A_335 : i32
        %and3A_337 = arith.constant 3 : i32
        %and3A_338 = arith.andi %add3A_334, %and3A_337 : i32
        %mul3A_339 = arith.constant 4096 : i32
        %mul3A_340 = arith.muli %shift_right_arithmetic3A_336, %mul3A_339 : i32
        %mul3A_341 = arith.constant 1024 : i32
        %mul3A_342 = arith.muli %and3A_338, %mul3A_341 : i32
        %add3A_343 = arith.addi %mul3A_340, %mul3A_342 : i32
        %mul3A_344 = arith.constant 65536 : i32
        %mul3A_345 = arith.muli %shift_right_arithmetic3A_336, %mul3A_344 : i32
        %mul3A_346 = arith.constant 8192 : i32
        %mul3A_347 = arith.muli %and3A_338, %mul3A_346 : i32
        %add3A_348 = arith.addi %mul3A_345, %mul3A_347 : i32
        %and3A_349 = arith.constant 1 : i32
        %and3A_350 = arith.andi %sub3A_331, %and3A_349 : i32
        %add3A_351 = arith.constant 32768 : i32
        %add3A_352 = arith.addi %add3A_348, %add3A_351 : i32
        %dma_wait3A_353 = arith.constant 8192 : i32
        %dma_wait3A_354 = tpu.memref_slice %arg7[%and3A_350, %dma_wait3A_353] : memref<2x16384xf32, #tpu.memory_space<vmem>> -> memref<1x8192xf32, #tpu.memory_space<vmem>>
        %dma_wait3A_355 = tpu.memref_squeeze %dma_wait3A_354 : memref<1x8192xf32, #tpu.memory_space<vmem>> -> memref<8192xf32, #tpu.memory_space<vmem>>
        %dma_wait3A_356 = tpu.memref_slice %arg4[%add3A_352] : memref<13107200xf32, #tpu.memory_space<hbm>> -> memref<8192xf32, #tpu.memory_space<hbm>>
        %dma_wait3A_357 = tpu.memref_slice %arg4[%add3A_352] : memref<13107200xf32, #tpu.memory_space<hbm>> -> memref<8192xf32, #tpu.memory_space<hbm>>
        %dma_wait3A_358 = arith.constant 8192 : i32
        %dma_wait3A_359 = tpu.memref_slice %arg7[%and3A_350, %dma_wait3A_358] : memref<2x16384xf32, #tpu.memory_space<vmem>> -> memref<1x8192xf32, #tpu.memory_space<vmem>>
        %dma_wait3A_360 = tpu.memref_squeeze %dma_wait3A_359 : memref<1x8192xf32, #tpu.memory_space<vmem>> -> memref<8192xf32, #tpu.memory_space<vmem>>
        tpu.wait_dma2 semaphore(%arg10 : memref<!tpu.dma_semaphore, #tpu.memory_space<semaphore_mem>>) src(%dma_wait3A_360 : memref<8192xf32, #tpu.memory_space<vmem>>) dst(%dma_wait3A_357 : memref<8192xf32, #tpu.memory_space<hbm>>)
      } else {
      }
      %parallel_loop3A = arith.constant 0 : i32
      %parallel_loop3A_240 = arith.constant 1024 : i32
      %parallel_loop3A_241 = arith.constant 1 : i32
      scf.for %parallel_loop3A_300 = %parallel_loop3A to %parallel_loop3A_240 step %parallel_loop3A_241  : i32 {
        %parallel_loop3A_301 = arith.constant 4 : i32
        %parallel_loop3A_302 = arith.shrsi %parallel_loop3A_300, %parallel_loop3A_301 : i32
        %parallel_loop3A_303 = arith.constant -16 : i32
        %parallel_loop3A_304 = arith.andi %parallel_loop3A_300, %parallel_loop3A_303 : i32
        %parallel_loop3A_305 = vector.broadcast %parallel_loop3A_300 : i32 to vector<16xi32>
        %parallel_loop3A_306 = arith.addi %iota3A, %parallel_loop3A_305 : vector<16xi32>
        %parallel_loop3A_307 = arith.constant 15 : i32
        %parallel_loop3A_308 = vector.broadcast %parallel_loop3A_307 : i32 to vector<16xi32>
        %parallel_loop3A_309 = arith.andi %parallel_loop3A_306, %parallel_loop3A_308 : vector<16xi32>
        %parallel_loop3A_310 = vector.broadcast %parallel_loop3A_304 : i32 to vector<16xi32>
        %parallel_loop3A_311 = arith.addi %parallel_loop3A_310, %parallel_loop3A_309 : vector<16xi32>
        %parallel_loop3A_312 = arith.constant 0 : i32
        %parallel_loop3A_313 = arith.constant 0 : i32
        %parallel_loop3A_314 = tpu.memref_slice %arg6[%and3A_212, %parallel_loop3A_312, %parallel_loop3A_313] : memref<2x1024x16xf32, #tpu.memory_space<vmem>> -> memref<1x1024x16xf32, #tpu.memory_space<vmem>>
        %parallel_loop3A_315 = tpu.memref_squeeze %parallel_loop3A_314 : memref<1x1024x16xf32, #tpu.memory_space<vmem>> -> memref<1024x16xf32, #tpu.memory_space<vmem>>
        %parallel_loop3A_316 = tpu.vector_load_idx %parallel_loop3A_315[%parallel_loop3A_311, %iota3A] : memref<1024x16xf32, #tpu.memory_space<vmem>>[vector<16xi32>, vector<16xi32>], vector<16xf32>,
        %parallel_loop3A_317 = arith.constant 3 : i32
        %parallel_loop3A_318 = arith.shrsi %parallel_loop3A_302, %parallel_loop3A_317 : i32
        %parallel_loop3A_319 = arith.constant 10 : i32
        %parallel_loop3A_320 = arith.shli %parallel_loop3A_318, %parallel_loop3A_319 : i32
        %parallel_loop3A_321 = arith.constant 7 : i32
        %parallel_loop3A_322 = arith.andi %parallel_loop3A_302, %parallel_loop3A_321 : i32
        %parallel_loop3A_323 = arith.constant 4 : i32
        %parallel_loop3A_324 = arith.shli %parallel_loop3A_322, %parallel_loop3A_323 : i32
        %parallel_loop3A_325 = arith.addi %parallel_loop3A_320, %parallel_loop3A_324 : i32
        %parallel_loop3A_326 = vector.broadcast %parallel_loop3A_325 : i32 to vector<16xi32>
        %parallel_loop3A_327 = arith.addi %add3A_11, %parallel_loop3A_326 : vector<16xi32>
        %parallel_loop3A_328 = vector.broadcast %parallel_loop3A_300 : i32 to vector<16xi32>
        %parallel_loop3A_329 = arith.addi %iota3A, %parallel_loop3A_328 : vector<16xi32>
        %parallel_loop3A_330 = arith.constant 15 : i32
        %parallel_loop3A_331 = vector.broadcast %parallel_loop3A_330 : i32 to vector<16xi32>
        %parallel_loop3A_332 = arith.andi %parallel_loop3A_329, %parallel_loop3A_331 : vector<16xi32>
        %parallel_loop3A_333 = arith.addi %parallel_loop3A_327, %parallel_loop3A_332 : vector<16xi32>
        %parallel_loop3A_334 = arith.constant 0 : i32
        %parallel_loop3A_335 = tpu.memref_slice %arg7[%and3A_212, %parallel_loop3A_334] : memref<2x16384xf32, #tpu.memory_space<vmem>> -> memref<1x16384xf32, #tpu.memory_space<vmem>>
        %parallel_loop3A_336 = tpu.memref_squeeze %parallel_loop3A_335 : memref<1x16384xf32, #tpu.memory_space<vmem>> -> memref<16384xf32, #tpu.memory_space<vmem>>
        tpu.vector_store_idx %parallel_loop3A_336[%parallel_loop3A_333], %parallel_loop3A_316 : memref<16384xf32, #tpu.memory_space<vmem>>[vector<16xi32>], vector<16xf32>,
      } {sc.loop_unroll_factor = 8 : i64, sc.parallel_access}
      %mul3A_242 = arith.constant 32 : i32
      %mul3A_243 = arith.muli %scan3A_210, %mul3A_242 : i32
      %add3A_244 = arith.addi %add3A, %mul3A_243 : i32
      %shift_right_arithmetic3A_245 = arith.constant 2 : i32
      %shift_right_arithmetic3A_246 = arith.shrsi %add3A_244, %shift_right_arithmetic3A_245 : i32
      %and3A_247 = arith.constant 3 : i32
      %and3A_248 = arith.andi %add3A_244, %and3A_247 : i32
      %mul3A_249 = arith.constant 4096 : i32
      %mul3A_250 = arith.muli %shift_right_arithmetic3A_246, %mul3A_249 : i32
      %mul3A_251 = arith.constant 1024 : i32
      %mul3A_252 = arith.muli %and3A_248, %mul3A_251 : i32
      %add3A_253 = arith.addi %mul3A_250, %mul3A_252 : i32
      %mul3A_254 = arith.constant 65536 : i32
      %mul3A_255 = arith.muli %shift_right_arithmetic3A_246, %mul3A_254 : i32
      %mul3A_256 = arith.constant 8192 : i32
      %mul3A_257 = arith.muli %and3A_248, %mul3A_256 : i32
      %add3A_258 = arith.addi %mul3A_255, %mul3A_257 : i32
      %and3A_259 = arith.constant 1 : i32
      %and3A_260 = arith.andi %scan3A_210, %and3A_259 : i32
      %add3A_261 = arith.constant 0 : i32
      %add3A_262 = arith.addi %add3A_258, %add3A_261 : i32
      %dma_start3A_263 = arith.constant 0 : i32
      %dma_start3A_264 = tpu.memref_slice %arg7[%and3A_260, %dma_start3A_263] : memref<2x16384xf32, #tpu.memory_space<vmem>> -> memref<1x8192xf32, #tpu.memory_space<vmem>>
      %dma_start3A_265 = tpu.memref_squeeze %dma_start3A_264 : memref<1x8192xf32, #tpu.memory_space<vmem>> -> memref<8192xf32, #tpu.memory_space<vmem>>
      %dma_start3A_266 = tpu.memref_slice %arg4[%add3A_262] : memref<13107200xf32, #tpu.memory_space<hbm>> -> memref<8192xf32, #tpu.memory_space<hbm>>
      %dma_start3A_267 = tpu.memref_slice %arg4[%add3A_262] : memref<13107200xf32, #tpu.memory_space<hbm>> -> memref<8192xf32, #tpu.memory_space<hbm>>
      %dma_start3A_268 = arith.constant 0 : i32
      %dma_start3A_269 = tpu.memref_slice %arg7[%and3A_260, %dma_start3A_268] : memref<2x16384xf32, #tpu.memory_space<vmem>> -> memref<1x8192xf32, #tpu.memory_space<vmem>>
      %dma_start3A_270 = tpu.memref_squeeze %dma_start3A_269 : memref<1x8192xf32, #tpu.memory_space<vmem>> -> memref<8192xf32, #tpu.memory_space<vmem>>
      tpu.enqueue_dma source(%dma_start3A_270 : memref<8192xf32, #tpu.memory_space<vmem>>) target(%dma_start3A_267 : memref<8192xf32, #tpu.memory_space<hbm>>) target_semaphore(%arg10 : memref<!tpu.dma_semaphore, #tpu.memory_space<semaphore_mem>>)
      %mul3A_271 = arith.constant 32 : i32
      %mul3A_272 = arith.muli %scan3A_210, %mul3A_271 : i32
      %add3A_273 = arith.addi %add3A, %mul3A_272 : i32
      %shift_right_arithmetic3A_274 = arith.constant 2 : i32
      %shift_right_arithmetic3A_275 = arith.shrsi %add3A_273, %shift_right_arithmetic3A_274 : i32
      %and3A_276 = arith.constant 3 : i32
      %and3A_277 = arith.andi %add3A_273, %and3A_276 : i32
      %mul3A_278 = arith.constant 4096 : i32
      %mul3A_279 = arith.muli %shift_right_arithmetic3A_275, %mul3A_278 : i32
      %mul3A_280 = arith.constant 1024 : i32
      %mul3A_281 = arith.muli %and3A_277, %mul3A_280 : i32
      %add3A_282 = arith.addi %mul3A_279, %mul3A_281 : i32
      %mul3A_283 = arith.constant 65536 : i32
      %mul3A_284 = arith.muli %shift_right_arithmetic3A_275, %mul3A_283 : i32
      %mul3A_285 = arith.constant 8192 : i32
      %mul3A_286 = arith.muli %and3A_277, %mul3A_285 : i32
      %add3A_287 = arith.addi %mul3A_284, %mul3A_286 : i32
      %and3A_288 = arith.constant 1 : i32
      %and3A_289 = arith.andi %scan3A_210, %and3A_288 : i32
      %add3A_290 = arith.constant 32768 : i32
      %add3A_291 = arith.addi %add3A_287, %add3A_290 : i32
      %dma_start3A_292 = arith.constant 8192 : i32
      %dma_start3A_293 = tpu.memref_slice %arg7[%and3A_289, %dma_start3A_292] : memref<2x16384xf32, #tpu.memory_space<vmem>> -> memref<1x8192xf32, #tpu.memory_space<vmem>>
      %dma_start3A_294 = tpu.memref_squeeze %dma_start3A_293 : memref<1x8192xf32, #tpu.memory_space<vmem>> -> memref<8192xf32, #tpu.memory_space<vmem>>
      %dma_start3A_295 = tpu.memref_slice %arg4[%add3A_291] : memref<13107200xf32, #tpu.memory_space<hbm>> -> memref<8192xf32, #tpu.memory_space<hbm>>
      %dma_start3A_296 = tpu.memref_slice %arg4[%add3A_291] : memref<13107200xf32, #tpu.memory_space<hbm>> -> memref<8192xf32, #tpu.memory_space<hbm>>
      %dma_start3A_297 = arith.constant 8192 : i32
      %dma_start3A_298 = tpu.memref_slice %arg7[%and3A_289, %dma_start3A_297] : memref<2x16384xf32, #tpu.memory_space<vmem>> -> memref<1x8192xf32, #tpu.memory_space<vmem>>
      %dma_start3A_299 = tpu.memref_squeeze %dma_start3A_298 : memref<1x8192xf32, #tpu.memory_space<vmem>> -> memref<8192xf32, #tpu.memory_space<vmem>>
      tpu.enqueue_dma source(%dma_start3A_299 : memref<8192xf32, #tpu.memory_space<vmem>>) target(%dma_start3A_296 : memref<8192xf32, #tpu.memory_space<hbm>>) target_semaphore(%arg10 : memref<!tpu.dma_semaphore, #tpu.memory_space<semaphore_mem>>)
    }
    %scan3A_101 = arith.constant 25 : i32
    %add3A_102 = arith.constant 736 : i32
    %add3A_103 = arith.addi %add3A, %add3A_102 : i32
    %shift_right_arithmetic3A_104 = arith.constant 2 : i32
    %shift_right_arithmetic3A_105 = arith.shrsi %add3A_103, %shift_right_arithmetic3A_104 : i32
    %and3A_106 = arith.constant 3 : i32
    %and3A_107 = arith.andi %add3A_103, %and3A_106 : i32
    %mul3A_108 = arith.constant 4096 : i32
    %mul3A_109 = arith.muli %shift_right_arithmetic3A_105, %mul3A_108 : i32
    %mul3A_110 = arith.constant 1024 : i32
    %mul3A_111 = arith.muli %and3A_107, %mul3A_110 : i32
    %add3A_112 = arith.addi %mul3A_109, %mul3A_111 : i32
    %mul3A_113 = arith.constant 65536 : i32
    %mul3A_114 = arith.muli %shift_right_arithmetic3A_105, %mul3A_113 : i32
    %mul3A_115 = arith.constant 8192 : i32
    %mul3A_116 = arith.muli %and3A_107, %mul3A_115 : i32
    %add3A_117 = arith.addi %mul3A_114, %mul3A_116 : i32
    %add3A_118 = arith.constant 0 : i32
    %add3A_119 = arith.addi %add3A_117, %add3A_118 : i32
    %dma_wait3A_120 = arith.constant 1 : i32
    %dma_wait3A_121 = arith.constant 0 : i32
    %dma_wait3A_122 = tpu.memref_slice %arg7[%dma_wait3A_120, %dma_wait3A_121] : memref<2x16384xf32, #tpu.memory_space<vmem>> -> memref<1x8192xf32, #tpu.memory_space<vmem>>
    %dma_wait3A_123 = tpu.memref_squeeze %dma_wait3A_122 : memref<1x8192xf32, #tpu.memory_space<vmem>> -> memref<8192xf32, #tpu.memory_space<vmem>>
    %dma_wait3A_124 = tpu.memref_slice %arg4[%add3A_119] : memref<13107200xf32, #tpu.memory_space<hbm>> -> memref<8192xf32, #tpu.memory_space<hbm>>
    %dma_wait3A_125 = tpu.memref_slice %arg4[%add3A_119] : memref<13107200xf32, #tpu.memory_space<hbm>> -> memref<8192xf32, #tpu.memory_space<hbm>>
    %dma_wait3A_126 = arith.constant 0 : i32
    %dma_wait3A_127 = tpu.memref_slice %arg7[%dma_wait3A_120, %dma_wait3A_126] : memref<2x16384xf32, #tpu.memory_space<vmem>> -> memref<1x8192xf32, #tpu.memory_space<vmem>>
    %dma_wait3A_128 = tpu.memref_squeeze %dma_wait3A_127 : memref<1x8192xf32, #tpu.memory_space<vmem>> -> memref<8192xf32, #tpu.memory_space<vmem>>
    tpu.wait_dma2 semaphore(%arg10 : memref<!tpu.dma_semaphore, #tpu.memory_space<semaphore_mem>>) src(%dma_wait3A_128 : memref<8192xf32, #tpu.memory_space<vmem>>) dst(%dma_wait3A_125 : memref<8192xf32, #tpu.memory_space<hbm>>)
    %add3A_129 = arith.constant 736 : i32
    %add3A_130 = arith.addi %add3A, %add3A_129 : i32
    %shift_right_arithmetic3A_131 = arith.constant 2 : i32
    %shift_right_arithmetic3A_132 = arith.shrsi %add3A_130, %shift_right_arithmetic3A_131 : i32
    %and3A_133 = arith.constant 3 : i32
    %and3A_134 = arith.andi %add3A_130, %and3A_133 : i32
    %mul3A_135 = arith.constant 4096 : i32
    %mul3A_136 = arith.muli %shift_right_arithmetic3A_132, %mul3A_135 : i32
    %mul3A_137 = arith.constant 1024 : i32
    %mul3A_138 = arith.muli %and3A_134, %mul3A_137 : i32
    %add3A_139 = arith.addi %mul3A_136, %mul3A_138 : i32
    %mul3A_140 = arith.constant 65536 : i32
    %mul3A_141 = arith.muli %shift_right_arithmetic3A_132, %mul3A_140 : i32
    %mul3A_142 = arith.constant 8192 : i32
    %mul3A_143 = arith.muli %and3A_134, %mul3A_142 : i32
    %add3A_144 = arith.addi %mul3A_141, %mul3A_143 : i32
    %add3A_145 = arith.constant 32768 : i32
    %add3A_146 = arith.addi %add3A_144, %add3A_145 : i32
    %dma_wait3A_147 = arith.constant 1 : i32
    %dma_wait3A_148 = arith.constant 8192 : i32
    %dma_wait3A_149 = tpu.memref_slice %arg7[%dma_wait3A_147, %dma_wait3A_148] : memref<2x16384xf32, #tpu.memory_space<vmem>> -> memref<1x8192xf32, #tpu.memory_space<vmem>>
    %dma_wait3A_150 = tpu.memref_squeeze %dma_wait3A_149 : memref<1x8192xf32, #tpu.memory_space<vmem>> -> memref<8192xf32, #tpu.memory_space<vmem>>
    %dma_wait3A_151 = tpu.memref_slice %arg4[%add3A_146] : memref<13107200xf32, #tpu.memory_space<hbm>> -> memref<8192xf32, #tpu.memory_space<hbm>>
    %dma_wait3A_152 = tpu.memref_slice %arg4[%add3A_146] : memref<13107200xf32, #tpu.memory_space<hbm>> -> memref<8192xf32, #tpu.memory_space<hbm>>
    %dma_wait3A_153 = arith.constant 8192 : i32
    %dma_wait3A_154 = tpu.memref_slice %arg7[%dma_wait3A_147, %dma_wait3A_153] : memref<2x16384xf32, #tpu.memory_space<vmem>> -> memref<1x8192xf32, #tpu.memory_space<vmem>>
    %dma_wait3A_155 = tpu.memref_squeeze %dma_wait3A_154 : memref<1x8192xf32, #tpu.memory_space<vmem>> -> memref<8192xf32, #tpu.memory_space<vmem>>
    tpu.wait_dma2 semaphore(%arg10 : memref<!tpu.dma_semaphore, #tpu.memory_space<semaphore_mem>>) src(%dma_wait3A_155 : memref<8192xf32, #tpu.memory_space<vmem>>) dst(%dma_wait3A_152 : memref<8192xf32, #tpu.memory_space<hbm>>)
    %add3A_156 = arith.constant 768 : i32
    %add3A_157 = arith.addi %add3A, %add3A_156 : i32
    %shift_right_arithmetic3A_158 = arith.constant 2 : i32
    %shift_right_arithmetic3A_159 = arith.shrsi %add3A_157, %shift_right_arithmetic3A_158 : i32
    %and3A_160 = arith.constant 3 : i32
    %and3A_161 = arith.andi %add3A_157, %and3A_160 : i32
    %mul3A_162 = arith.constant 4096 : i32
    %mul3A_163 = arith.muli %shift_right_arithmetic3A_159, %mul3A_162 : i32
    %mul3A_164 = arith.constant 1024 : i32
    %mul3A_165 = arith.muli %and3A_161, %mul3A_164 : i32
    %add3A_166 = arith.addi %mul3A_163, %mul3A_165 : i32
    %mul3A_167 = arith.constant 65536 : i32
    %mul3A_168 = arith.muli %shift_right_arithmetic3A_159, %mul3A_167 : i32
    %mul3A_169 = arith.constant 8192 : i32
    %mul3A_170 = arith.muli %and3A_161, %mul3A_169 : i32
    %add3A_171 = arith.addi %mul3A_168, %mul3A_170 : i32
    %add3A_172 = arith.constant 0 : i32
    %add3A_173 = arith.addi %add3A_171, %add3A_172 : i32
    %dma_wait3A_174 = arith.constant 0 : i32
    %dma_wait3A_175 = arith.constant 0 : i32
    %dma_wait3A_176 = tpu.memref_slice %arg7[%dma_wait3A_174, %dma_wait3A_175] : memref<2x16384xf32, #tpu.memory_space<vmem>> -> memref<1x8192xf32, #tpu.memory_space<vmem>>
    %dma_wait3A_177 = tpu.memref_squeeze %dma_wait3A_176 : memref<1x8192xf32, #tpu.memory_space<vmem>> -> memref<8192xf32, #tpu.memory_space<vmem>>
    %dma_wait3A_178 = tpu.memref_slice %arg4[%add3A_173] : memref<13107200xf32, #tpu.memory_space<hbm>> -> memref<8192xf32, #tpu.memory_space<hbm>>
    %dma_wait3A_179 = tpu.memref_slice %arg4[%add3A_173] : memref<13107200xf32, #tpu.memory_space<hbm>> -> memref<8192xf32, #tpu.memory_space<hbm>>
    %dma_wait3A_180 = arith.constant 0 : i32
    %dma_wait3A_181 = tpu.memref_slice %arg7[%dma_wait3A_174, %dma_wait3A_180] : memref<2x16384xf32, #tpu.memory_space<vmem>> -> memref<1x8192xf32, #tpu.memory_space<vmem>>
    %dma_wait3A_182 = tpu.memref_squeeze %dma_wait3A_181 : memref<1x8192xf32, #tpu.memory_space<vmem>> -> memref<8192xf32, #tpu.memory_space<vmem>>
    tpu.wait_dma2 semaphore(%arg10 : memref<!tpu.dma_semaphore, #tpu.memory_space<semaphore_mem>>) src(%dma_wait3A_182 : memref<8192xf32, #tpu.memory_space<vmem>>) dst(%dma_wait3A_179 : memref<8192xf32, #tpu.memory_space<hbm>>)
    %add3A_183 = arith.constant 768 : i32
    %add3A_184 = arith.addi %add3A, %add3A_183 : i32
    %shift_right_arithmetic3A_185 = arith.constant 2 : i32
    %shift_right_arithmetic3A_186 = arith.shrsi %add3A_184, %shift_right_arithmetic3A_185 : i32
    %and3A_187 = arith.constant 3 : i32
    %and3A_188 = arith.andi %add3A_184, %and3A_187 : i32
    %mul3A_189 = arith.constant 4096 : i32
    %mul3A_190 = arith.muli %shift_right_arithmetic3A_186, %mul3A_189 : i32
    %mul3A_191 = arith.constant 1024 : i32
    %mul3A_192 = arith.muli %and3A_188, %mul3A_191 : i32
    %add3A_193 = arith.addi %mul3A_190, %mul3A_192 : i32
    %mul3A_194 = arith.constant 65536 : i32
    %mul3A_195 = arith.muli %shift_right_arithmetic3A_186, %mul3A_194 : i32
    %mul3A_196 = arith.constant 8192 : i32
    %mul3A_197 = arith.muli %and3A_188, %mul3A_196 : i32
    %add3A_198 = arith.addi %mul3A_195, %mul3A_197 : i32
    %add3A_199 = arith.constant 32768 : i32
    %add3A_200 = arith.addi %add3A_198, %add3A_199 : i32
    %dma_wait3A_201 = arith.constant 0 : i32
    %dma_wait3A_202 = arith.constant 8192 : i32
    %dma_wait3A_203 = tpu.memref_slice %arg7[%dma_wait3A_201, %dma_wait3A_202] : memref<2x16384xf32, #tpu.memory_space<vmem>> -> memref<1x8192xf32, #tpu.memory_space<vmem>>
    %dma_wait3A_204 = tpu.memref_squeeze %dma_wait3A_203 : memref<1x8192xf32, #tpu.memory_space<vmem>> -> memref<8192xf32, #tpu.memory_space<vmem>>
    %dma_wait3A_205 = tpu.memref_slice %arg4[%add3A_200] : memref<13107200xf32, #tpu.memory_space<hbm>> -> memref<8192xf32, #tpu.memory_space<hbm>>
    %dma_wait3A_206 = tpu.memref_slice %arg4[%add3A_200] : memref<13107200xf32, #tpu.memory_space<hbm>> -> memref<8192xf32, #tpu.memory_space<hbm>>
    %dma_wait3A_207 = arith.constant 8192 : i32
    %dma_wait3A_208 = tpu.memref_slice %arg7[%dma_wait3A_201, %dma_wait3A_207] : memref<2x16384xf32, #tpu.memory_space<vmem>> -> memref<1x8192xf32, #tpu.memory_space<vmem>>
    %dma_wait3A_209 = tpu.memref_squeeze %dma_wait3A_208 : memref<1x8192xf32, #tpu.memory_space<vmem>> -> memref<8192xf32, #tpu.memory_space<vmem>>
    tpu.wait_dma2 semaphore(%arg10 : memref<!tpu.dma_semaphore, #tpu.memory_space<semaphore_mem>>) src(%dma_wait3A_209 : memref<8192xf32, #tpu.memory_space<vmem>>) dst(%dma_wait3A_206 : memref<8192xf32, #tpu.memory_space<hbm>>)
    return
  }
}

#map = affine_map<(d0, d1) -> (0, 0)>
#map1 = affine_map<(d0, d1) -> (0)>
module attributes {stable_mosaic.version = 14 : i64} {
  func.func @_conv_body(%arg0: i32, %arg1: i32, %arg2: memref<16x1000000xf32, #tpu.memory_space<hbm>>, %arg3: memref<64x16xf32, #tpu.memory_space<hbm>>, %arg4: memref<16000000xf32, #tpu.memory_space<hbm>>, %arg5: memref<2x16x1536xf32, #tpu.memory_space<vmem>>, %arg6: memref<2x24576xf32, #tpu.memory_space<vmem>>, %arg7: memref<64x16xf32, #tpu.memory_space<vmem>>, %arg8: memref<1024xf32, #tpu.memory_space<vmem>>, %arg9: memref<!tpu.dma_semaphore, #tpu.memory_space<semaphore_mem>>, %arg10: memref<!tpu.dma_semaphore, #tpu.memory_space<semaphore_mem>>) attributes {dimension_semantics = [#tpu.dimension_semantics<core_parallel>, #tpu.dimension_semantics<subcore_parallel>], iteration_bounds = array<i64: 2, 16>, scalar_prefetch = 0 : i64, scratch_operands = 6 : i64, tpu.core_type = #tpu.core_type<sc_vector_subcore>, window_params = [{transform_indices = #map}, {transform_indices = #map}, {transform_indices = #map1}]} {
    %mul3A = arith.constant 2 : i32
    %mul3A_0 = arith.muli %arg1, %mul3A : i32
    %add3A = arith.addi %mul3A_0, %arg0 : i32
    %iota3A = tpu.iota {dimensions = array<i32: 0>} : vector<16xi32>
    %add3A_1 = arith.constant 0 : i32
    %add3A_2 = vector.broadcast %add3A_1 : i32 to vector<16xi32>
    %add3A_3 = arith.addi %iota3A, %add3A_2 : vector<16xi32>
    %and3A = arith.constant 15 : i32
    %and3A_4 = vector.broadcast %and3A : i32 to vector<16xi32>
    %and3A_5 = arith.andi %add3A_3, %and3A_4 : vector<16xi32>
    %add3A_6 = arith.constant 1 : i32
    %add3A_7 = vector.broadcast %add3A_6 : i32 to vector<16xi32>
    %add3A_8 = arith.addi %iota3A, %add3A_7 : vector<16xi32>
    %and3A_9 = arith.constant 15 : i32
    %and3A_10 = vector.broadcast %and3A_9 : i32 to vector<16xi32>
    %and3A_11 = arith.andi %add3A_8, %and3A_10 : vector<16xi32>
    %add3A_12 = arith.constant 2 : i32
    %add3A_13 = vector.broadcast %add3A_12 : i32 to vector<16xi32>
    %add3A_14 = arith.addi %iota3A, %add3A_13 : vector<16xi32>
    %and3A_15 = arith.constant 15 : i32
    %and3A_16 = vector.broadcast %and3A_15 : i32 to vector<16xi32>
    %and3A_17 = arith.andi %add3A_14, %and3A_16 : vector<16xi32>
    %add3A_18 = arith.constant 3 : i32
    %add3A_19 = vector.broadcast %add3A_18 : i32 to vector<16xi32>
    %add3A_20 = arith.addi %iota3A, %add3A_19 : vector<16xi32>
    %and3A_21 = arith.constant 15 : i32
    %and3A_22 = vector.broadcast %and3A_21 : i32 to vector<16xi32>
    %and3A_23 = arith.andi %add3A_20, %and3A_22 : vector<16xi32>
    %add3A_24 = arith.constant 4 : i32
    %add3A_25 = vector.broadcast %add3A_24 : i32 to vector<16xi32>
    %add3A_26 = arith.addi %iota3A, %add3A_25 : vector<16xi32>
    %and3A_27 = arith.constant 15 : i32
    %and3A_28 = vector.broadcast %and3A_27 : i32 to vector<16xi32>
    %and3A_29 = arith.andi %add3A_26, %and3A_28 : vector<16xi32>
    %add3A_30 = arith.constant 5 : i32
    %add3A_31 = vector.broadcast %add3A_30 : i32 to vector<16xi32>
    %add3A_32 = arith.addi %iota3A, %add3A_31 : vector<16xi32>
    %and3A_33 = arith.constant 15 : i32
    %and3A_34 = vector.broadcast %and3A_33 : i32 to vector<16xi32>
    %and3A_35 = arith.andi %add3A_32, %and3A_34 : vector<16xi32>
    %add3A_36 = arith.constant 6 : i32
    %add3A_37 = vector.broadcast %add3A_36 : i32 to vector<16xi32>
    %add3A_38 = arith.addi %iota3A, %add3A_37 : vector<16xi32>
    %and3A_39 = arith.constant 15 : i32
    %and3A_40 = vector.broadcast %and3A_39 : i32 to vector<16xi32>
    %and3A_41 = arith.andi %add3A_38, %and3A_40 : vector<16xi32>
    %add3A_42 = arith.constant 7 : i32
    %add3A_43 = vector.broadcast %add3A_42 : i32 to vector<16xi32>
    %add3A_44 = arith.addi %iota3A, %add3A_43 : vector<16xi32>
    %and3A_45 = arith.constant 15 : i32
    %and3A_46 = vector.broadcast %and3A_45 : i32 to vector<16xi32>
    %and3A_47 = arith.andi %add3A_44, %and3A_46 : vector<16xi32>
    %add3A_48 = arith.constant 8 : i32
    %add3A_49 = vector.broadcast %add3A_48 : i32 to vector<16xi32>
    %add3A_50 = arith.addi %iota3A, %add3A_49 : vector<16xi32>
    %and3A_51 = arith.constant 15 : i32
    %and3A_52 = vector.broadcast %and3A_51 : i32 to vector<16xi32>
    %and3A_53 = arith.andi %add3A_50, %and3A_52 : vector<16xi32>
    %add3A_54 = arith.constant 9 : i32
    %add3A_55 = vector.broadcast %add3A_54 : i32 to vector<16xi32>
    %add3A_56 = arith.addi %iota3A, %add3A_55 : vector<16xi32>
    %and3A_57 = arith.constant 15 : i32
    %and3A_58 = vector.broadcast %and3A_57 : i32 to vector<16xi32>
    %and3A_59 = arith.andi %add3A_56, %and3A_58 : vector<16xi32>
    %add3A_60 = arith.constant 10 : i32
    %add3A_61 = vector.broadcast %add3A_60 : i32 to vector<16xi32>
    %add3A_62 = arith.addi %iota3A, %add3A_61 : vector<16xi32>
    %and3A_63 = arith.constant 15 : i32
    %and3A_64 = vector.broadcast %and3A_63 : i32 to vector<16xi32>
    %and3A_65 = arith.andi %add3A_62, %and3A_64 : vector<16xi32>
    %add3A_66 = arith.constant 11 : i32
    %add3A_67 = vector.broadcast %add3A_66 : i32 to vector<16xi32>
    %add3A_68 = arith.addi %iota3A, %add3A_67 : vector<16xi32>
    %and3A_69 = arith.constant 15 : i32
    %and3A_70 = vector.broadcast %and3A_69 : i32 to vector<16xi32>
    %and3A_71 = arith.andi %add3A_68, %and3A_70 : vector<16xi32>
    %add3A_72 = arith.constant 12 : i32
    %add3A_73 = vector.broadcast %add3A_72 : i32 to vector<16xi32>
    %add3A_74 = arith.addi %iota3A, %add3A_73 : vector<16xi32>
    %and3A_75 = arith.constant 15 : i32
    %and3A_76 = vector.broadcast %and3A_75 : i32 to vector<16xi32>
    %and3A_77 = arith.andi %add3A_74, %and3A_76 : vector<16xi32>
    %add3A_78 = arith.constant 13 : i32
    %add3A_79 = vector.broadcast %add3A_78 : i32 to vector<16xi32>
    %add3A_80 = arith.addi %iota3A, %add3A_79 : vector<16xi32>
    %and3A_81 = arith.constant 15 : i32
    %and3A_82 = vector.broadcast %and3A_81 : i32 to vector<16xi32>
    %and3A_83 = arith.andi %add3A_80, %and3A_82 : vector<16xi32>
    %add3A_84 = arith.constant 14 : i32
    %add3A_85 = vector.broadcast %add3A_84 : i32 to vector<16xi32>
    %add3A_86 = arith.addi %iota3A, %add3A_85 : vector<16xi32>
    %and3A_87 = arith.constant 15 : i32
    %and3A_88 = vector.broadcast %and3A_87 : i32 to vector<16xi32>
    %and3A_89 = arith.andi %add3A_86, %and3A_88 : vector<16xi32>
    %add3A_90 = arith.constant 15 : i32
    %add3A_91 = vector.broadcast %add3A_90 : i32 to vector<16xi32>
    %add3A_92 = arith.addi %iota3A, %add3A_91 : vector<16xi32>
    %and3A_93 = arith.constant 15 : i32
    %and3A_94 = vector.broadcast %and3A_93 : i32 to vector<16xi32>
    %and3A_95 = arith.andi %add3A_92, %and3A_94 : vector<16xi32>
    %mul3A_96 = arith.constant 16 : i32
    %mul3A_97 = vector.broadcast %mul3A_96 : i32 to vector<16xi32>
    %mul3A_98 = arith.muli %and3A_5, %mul3A_97 : vector<16xi32>
    %add3A_99 = arith.addi %mul3A_98, %iota3A : vector<16xi32>
    %mul3A_100 = arith.constant 16 : i32
    %mul3A_101 = vector.broadcast %mul3A_100 : i32 to vector<16xi32>
    %mul3A_102 = arith.muli %and3A_11, %mul3A_101 : vector<16xi32>
    %add3A_103 = arith.addi %mul3A_102, %iota3A : vector<16xi32>
    %mul3A_104 = arith.constant 16 : i32
    %mul3A_105 = vector.broadcast %mul3A_104 : i32 to vector<16xi32>
    %mul3A_106 = arith.muli %and3A_17, %mul3A_105 : vector<16xi32>
    %add3A_107 = arith.addi %mul3A_106, %iota3A : vector<16xi32>
    %mul3A_108 = arith.constant 16 : i32
    %mul3A_109 = vector.broadcast %mul3A_108 : i32 to vector<16xi32>
    %mul3A_110 = arith.muli %and3A_23, %mul3A_109 : vector<16xi32>
    %add3A_111 = arith.addi %mul3A_110, %iota3A : vector<16xi32>
    %mul3A_112 = arith.constant 16 : i32
    %mul3A_113 = vector.broadcast %mul3A_112 : i32 to vector<16xi32>
    %mul3A_114 = arith.muli %and3A_29, %mul3A_113 : vector<16xi32>
    %add3A_115 = arith.addi %mul3A_114, %iota3A : vector<16xi32>
    %mul3A_116 = arith.constant 16 : i32
    %mul3A_117 = vector.broadcast %mul3A_116 : i32 to vector<16xi32>
    %mul3A_118 = arith.muli %and3A_35, %mul3A_117 : vector<16xi32>
    %add3A_119 = arith.addi %mul3A_118, %iota3A : vector<16xi32>
    %mul3A_120 = arith.constant 16 : i32
    %mul3A_121 = vector.broadcast %mul3A_120 : i32 to vector<16xi32>
    %mul3A_122 = arith.muli %and3A_41, %mul3A_121 : vector<16xi32>
    %add3A_123 = arith.addi %mul3A_122, %iota3A : vector<16xi32>
    %mul3A_124 = arith.constant 16 : i32
    %mul3A_125 = vector.broadcast %mul3A_124 : i32 to vector<16xi32>
    %mul3A_126 = arith.muli %and3A_47, %mul3A_125 : vector<16xi32>
    %add3A_127 = arith.addi %mul3A_126, %iota3A : vector<16xi32>
    %mul3A_128 = arith.constant 16 : i32
    %mul3A_129 = vector.broadcast %mul3A_128 : i32 to vector<16xi32>
    %mul3A_130 = arith.muli %and3A_53, %mul3A_129 : vector<16xi32>
    %add3A_131 = arith.addi %mul3A_130, %iota3A : vector<16xi32>
    %mul3A_132 = arith.constant 16 : i32
    %mul3A_133 = vector.broadcast %mul3A_132 : i32 to vector<16xi32>
    %mul3A_134 = arith.muli %and3A_59, %mul3A_133 : vector<16xi32>
    %add3A_135 = arith.addi %mul3A_134, %iota3A : vector<16xi32>
    %mul3A_136 = arith.constant 16 : i32
    %mul3A_137 = vector.broadcast %mul3A_136 : i32 to vector<16xi32>
    %mul3A_138 = arith.muli %and3A_65, %mul3A_137 : vector<16xi32>
    %add3A_139 = arith.addi %mul3A_138, %iota3A : vector<16xi32>
    %mul3A_140 = arith.constant 16 : i32
    %mul3A_141 = vector.broadcast %mul3A_140 : i32 to vector<16xi32>
    %mul3A_142 = arith.muli %and3A_71, %mul3A_141 : vector<16xi32>
    %add3A_143 = arith.addi %mul3A_142, %iota3A : vector<16xi32>
    %mul3A_144 = arith.constant 16 : i32
    %mul3A_145 = vector.broadcast %mul3A_144 : i32 to vector<16xi32>
    %mul3A_146 = arith.muli %and3A_77, %mul3A_145 : vector<16xi32>
    %add3A_147 = arith.addi %mul3A_146, %iota3A : vector<16xi32>
    %mul3A_148 = arith.constant 16 : i32
    %mul3A_149 = vector.broadcast %mul3A_148 : i32 to vector<16xi32>
    %mul3A_150 = arith.muli %and3A_83, %mul3A_149 : vector<16xi32>
    %add3A_151 = arith.addi %mul3A_150, %iota3A : vector<16xi32>
    %mul3A_152 = arith.constant 16 : i32
    %mul3A_153 = vector.broadcast %mul3A_152 : i32 to vector<16xi32>
    %mul3A_154 = arith.muli %and3A_89, %mul3A_153 : vector<16xi32>
    %add3A_155 = arith.addi %mul3A_154, %iota3A : vector<16xi32>
    %mul3A_156 = arith.constant 16 : i32
    %mul3A_157 = vector.broadcast %mul3A_156 : i32 to vector<16xi32>
    %mul3A_158 = arith.muli %and3A_95, %mul3A_157 : vector<16xi32>
    %add3A_159 = arith.addi %mul3A_158, %iota3A : vector<16xi32>
    %add3A_160 = arith.constant 0 : i32
    %add3A_161 = arith.addi %add3A, %add3A_160 : i32
    %mul3A_162 = arith.constant 1536 : i32
    %mul3A_163 = arith.muli %add3A_161, %mul3A_162 : i32
    %dma_start3A = arith.constant 0 : i32
    %dma_start3A_164 = arith.constant 0 : i32
    %dma_start3A_165 = arith.constant 0 : i32
    %dma_start3A_166 = tpu.memref_slice %arg5[%dma_start3A, %dma_start3A_164, %dma_start3A_165] : memref<2x16x1536xf32, #tpu.memory_space<vmem>> -> memref<1x16x1536xf32, #tpu.memory_space<vmem>>
    %dma_start3A_167 = tpu.memref_squeeze %dma_start3A_166 : memref<1x16x1536xf32, #tpu.memory_space<vmem>> -> memref<16x1536xf32, #tpu.memory_space<vmem>>
    %dma_start3A_168 = arith.constant 0 : i32
    %dma_start3A_169 = tpu.memref_slice %arg2[%dma_start3A_168, %mul3A_163] : memref<16x1000000xf32, #tpu.memory_space<hbm>> -> memref<16x1536xf32, #tpu.memory_space<hbm>>
    %dma_start3A_170 = arith.constant 0 : i32
    %dma_start3A_171 = arith.constant 0 : i32
    %dma_start3A_172 = tpu.memref_slice %arg5[%dma_start3A, %dma_start3A_170, %dma_start3A_171] : memref<2x16x1536xf32, #tpu.memory_space<vmem>> -> memref<1x16x1536xf32, #tpu.memory_space<vmem>>
    %dma_start3A_173 = tpu.memref_squeeze %dma_start3A_172 : memref<1x16x1536xf32, #tpu.memory_space<vmem>> -> memref<16x1536xf32, #tpu.memory_space<vmem>>
    %dma_start3A_174 = arith.constant 0 : i32
    %dma_start3A_175 = tpu.memref_slice %arg2[%dma_start3A_174, %mul3A_163] : memref<16x1000000xf32, #tpu.memory_space<hbm>> -> memref<16x1536xf32, #tpu.memory_space<hbm>>
    tpu.enqueue_dma source(%dma_start3A_175 : memref<16x1536xf32, #tpu.memory_space<hbm>>) target(%dma_start3A_173 : memref<16x1536xf32, #tpu.memory_space<vmem>>) target_semaphore(%arg9 : memref<!tpu.dma_semaphore, #tpu.memory_space<semaphore_mem>>)
    %scan3A = arith.constant 0 : i32
    %scan3A_176 = arith.constant 0 : i32
    %scan3A_177 = arith.constant 21 : i32
    %scan3A_178 = arith.addi %scan3A_176, %scan3A_177 : i32
    %scan3A_179 = arith.constant 1 : i32
    scf.for %scan3A_212 = %scan3A_176 to %scan3A_178 step %scan3A_179  : i32 {
      %mul3A_213 = arith.constant 32 : i32
      %mul3A_214 = arith.muli %scan3A_212, %mul3A_213 : i32
      %add3A_215 = arith.addi %add3A, %mul3A_214 : i32
      %lt3A = arith.constant 651 : i32
      %lt3A_216 = arith.cmpi slt, %add3A_215, %lt3A : i32
      %convert_element_type3A_217 = arith.extui %lt3A_216 : i1 to i32
      %cond3A_218 = arith.constant 0 : i32
      %cond3A_219 = arith.cmpi ne, %convert_element_type3A_217, %cond3A_218 : i32
      scf.if %cond3A_219 {
        %and3A_220 = arith.constant 1 : i32
        %and3A_221 = arith.andi %scan3A_212, %and3A_220 : i32
        %add3A_222 = arith.constant 1 : i32
        %add3A_223 = arith.addi %scan3A_212, %add3A_222 : i32
        %mul3A_224 = arith.constant 32 : i32
        %mul3A_225 = arith.muli %add3A_223, %mul3A_224 : i32
        %add3A_226 = arith.addi %add3A, %mul3A_225 : i32
        %lt3A_227 = arith.constant 651 : i32
        %lt3A_228 = arith.cmpi slt, %add3A_226, %lt3A_227 : i32
        %convert_element_type3A_229 = arith.extui %lt3A_228 : i1 to i32
        %cond3A_230 = arith.constant 0 : i32
        %cond3A_231 = arith.cmpi ne, %convert_element_type3A_229, %cond3A_230 : i32
        scf.if %cond3A_231 {
          %add3A_274 = arith.constant 1 : i32
          %add3A_275 = arith.addi %scan3A_212, %add3A_274 : i32
          %mul3A_276 = arith.constant 32 : i32
          %mul3A_277 = arith.muli %add3A_275, %mul3A_276 : i32
          %add3A_278 = arith.addi %add3A, %mul3A_277 : i32
          %mul3A_279 = arith.constant 1536 : i32
          %mul3A_280 = arith.muli %add3A_278, %mul3A_279 : i32
          %and3A_281 = arith.constant 1 : i32
          %and3A_282 = arith.andi %add3A_275, %and3A_281 : i32
          %dma_start3A_283 = arith.constant 0 : i32
          %dma_start3A_284 = arith.constant 0 : i32
          %dma_start3A_285 = tpu.memref_slice %arg5[%and3A_282, %dma_start3A_283, %dma_start3A_284] : memref<2x16x1536xf32, #tpu.memory_space<vmem>> -> memref<1x16x1536xf32, #tpu.memory_space<vmem>>
          %dma_start3A_286 = tpu.memref_squeeze %dma_start3A_285 : memref<1x16x1536xf32, #tpu.memory_space<vmem>> -> memref<16x1536xf32, #tpu.memory_space<vmem>>
          %dma_start3A_287 = arith.constant 0 : i32
          %dma_start3A_288 = tpu.memref_slice %arg2[%dma_start3A_287, %mul3A_280] : memref<16x1000000xf32, #tpu.memory_space<hbm>> -> memref<16x1536xf32, #tpu.memory_space<hbm>>
          %dma_start3A_289 = arith.constant 0 : i32
          %dma_start3A_290 = arith.constant 0 : i32
          %dma_start3A_291 = tpu.memref_slice %arg5[%and3A_282, %dma_start3A_289, %dma_start3A_290] : memref<2x16x1536xf32, #tpu.memory_space<vmem>> -> memref<1x16x1536xf32, #tpu.memory_space<vmem>>
          %dma_start3A_292 = tpu.memref_squeeze %dma_start3A_291 : memref<1x16x1536xf32, #tpu.memory_space<vmem>> -> memref<16x1536xf32, #tpu.memory_space<vmem>>
          %dma_start3A_293 = arith.constant 0 : i32
          %dma_start3A_294 = tpu.memref_slice %arg2[%dma_start3A_293, %mul3A_280] : memref<16x1000000xf32, #tpu.memory_space<hbm>> -> memref<16x1536xf32, #tpu.memory_space<hbm>>
          tpu.enqueue_dma source(%dma_start3A_294 : memref<16x1536xf32, #tpu.memory_space<hbm>>) target(%dma_start3A_292 : memref<16x1536xf32, #tpu.memory_space<vmem>>) target_semaphore(%arg9 : memref<!tpu.dma_semaphore, #tpu.memory_space<semaphore_mem>>)
        } else {
        }
        %mul3A_232 = arith.constant 32 : i32
        %mul3A_233 = arith.muli %scan3A_212, %mul3A_232 : i32
        %add3A_234 = arith.addi %add3A, %mul3A_233 : i32
        %mul3A_235 = arith.constant 1536 : i32
        %mul3A_236 = arith.muli %add3A_234, %mul3A_235 : i32
        %and3A_237 = arith.constant 1 : i32
        %and3A_238 = arith.andi %scan3A_212, %and3A_237 : i32
        %dma_wait3A_239 = arith.constant 0 : i32
        %dma_wait3A_240 = arith.constant 0 : i32
        %dma_wait3A_241 = tpu.memref_slice %arg5[%and3A_238, %dma_wait3A_239, %dma_wait3A_240] : memref<2x16x1536xf32, #tpu.memory_space<vmem>> -> memref<1x16x1536xf32, #tpu.memory_space<vmem>>
        %dma_wait3A_242 = tpu.memref_squeeze %dma_wait3A_241 : memref<1x16x1536xf32, #tpu.memory_space<vmem>> -> memref<16x1536xf32, #tpu.memory_space<vmem>>
        %dma_wait3A_243 = arith.constant 0 : i32
        %dma_wait3A_244 = tpu.memref_slice %arg2[%dma_wait3A_243, %mul3A_236] : memref<16x1000000xf32, #tpu.memory_space<hbm>> -> memref<16x1536xf32, #tpu.memory_space<hbm>>
        %dma_wait3A_245 = arith.constant 0 : i32
        %dma_wait3A_246 = arith.constant 0 : i32
        %dma_wait3A_247 = tpu.memref_slice %arg5[%and3A_238, %dma_wait3A_245, %dma_wait3A_246] : memref<2x16x1536xf32, #tpu.memory_space<vmem>> -> memref<1x16x1536xf32, #tpu.memory_space<vmem>>
        %dma_wait3A_248 = tpu.memref_squeeze %dma_wait3A_247 : memref<1x16x1536xf32, #tpu.memory_space<vmem>> -> memref<16x1536xf32, #tpu.memory_space<vmem>>
        %dma_wait3A_249 = arith.constant 0 : i32
        %dma_wait3A_250 = tpu.memref_slice %arg2[%dma_wait3A_249, %mul3A_236] : memref<16x1000000xf32, #tpu.memory_space<hbm>> -> memref<16x1536xf32, #tpu.memory_space<hbm>>
        tpu.wait_dma2 semaphore(%arg9 : memref<!tpu.dma_semaphore, #tpu.memory_space<semaphore_mem>>) src(%dma_wait3A_250 : memref<16x1536xf32, #tpu.memory_space<hbm>>) dst(%dma_wait3A_248 : memref<16x1536xf32, #tpu.memory_space<vmem>>)
        %ge3A = arith.constant 2 : i32
        %ge3A_251 = arith.cmpi sge, %scan3A_212, %ge3A : i32
        %convert_element_type3A_252 = arith.extui %ge3A_251 : i1 to i32
        %cond3A_253 = arith.constant 0 : i32
        %cond3A_254 = arith.cmpi ne, %convert_element_type3A_252, %cond3A_253 : i32
        scf.if %cond3A_254 {
          %sub3A = arith.constant 2 : i32
          %sub3A_274 = arith.subi %scan3A_212, %sub3A : i32
          %mul3A_275 = arith.constant 32 : i32
          %mul3A_276 = arith.muli %sub3A_274, %mul3A_275 : i32
          %add3A_277 = arith.addi %add3A, %mul3A_276 : i32
          %and3A_278 = arith.constant 1 : i32
          %and3A_279 = arith.andi %sub3A_274, %and3A_278 : i32
          %mul3A_280 = arith.constant 1536 : i32
          %mul3A_281 = arith.muli %add3A_277, %mul3A_280 : i32
          %mul3A_282 = arith.constant 16 : i32
          %mul3A_283 = arith.muli %mul3A_281, %mul3A_282 : i32
          %dma_wait3A_284 = arith.constant 0 : i32
          %dma_wait3A_285 = tpu.memref_slice %arg6[%and3A_279, %dma_wait3A_284] : memref<2x24576xf32, #tpu.memory_space<vmem>> -> memref<1x24576xf32, #tpu.memory_space<vmem>>
          %dma_wait3A_286 = tpu.memref_squeeze %dma_wait3A_285 : memref<1x24576xf32, #tpu.memory_space<vmem>> -> memref<24576xf32, #tpu.memory_space<vmem>>
          %dma_wait3A_287 = tpu.memref_slice %arg4[%mul3A_283] : memref<16000000xf32, #tpu.memory_space<hbm>> -> memref<24576xf32, #tpu.memory_space<hbm>>
          %dma_wait3A_288 = tpu.memref_slice %arg4[%mul3A_283] : memref<16000000xf32, #tpu.memory_space<hbm>> -> memref<24576xf32, #tpu.memory_space<hbm>>
          %dma_wait3A_289 = arith.constant 0 : i32
          %dma_wait3A_290 = tpu.memref_slice %arg6[%and3A_279, %dma_wait3A_289] : memref<2x24576xf32, #tpu.memory_space<vmem>> -> memref<1x24576xf32, #tpu.memory_space<vmem>>
          %dma_wait3A_291 = tpu.memref_squeeze %dma_wait3A_290 : memref<1x24576xf32, #tpu.memory_space<vmem>> -> memref<24576xf32, #tpu.memory_space<vmem>>
          tpu.wait_dma2 semaphore(%arg10 : memref<!tpu.dma_semaphore, #tpu.memory_space<semaphore_mem>>) src(%dma_wait3A_291 : memref<24576xf32, #tpu.memory_space<vmem>>) dst(%dma_wait3A_288 : memref<24576xf32, #tpu.memory_space<hbm>>)
        } else {
        }
        %parallel_loop3A = arith.constant 0 : i32
        %parallel_loop3A_255 = arith.constant 96 : i32
        %parallel_loop3A_256 = arith.constant 1 : i32
        scf.for %parallel_loop3A_274 = %parallel_loop3A to %parallel_loop3A_255 step %parallel_loop3A_256  : i32 {
          %parallel_loop3A_275 = arith.constant 16 : i32
          %parallel_loop3A_276 = arith.muli %parallel_loop3A_274, %parallel_loop3A_275 : i32
          %parallel_loop3A_277 = arith.constant 256 : i32
          %parallel_loop3A_278 = arith.muli %parallel_loop3A_274, %parallel_loop3A_277 : i32
          %parallel_loop3A_279 = vector.broadcast %parallel_loop3A_276 : i32 to vector<16xi32>
          %parallel_loop3A_280 = arith.addi %and3A_5, %parallel_loop3A_279 : vector<16xi32>
          %parallel_loop3A_281 = arith.constant 0 : i32
          %parallel_loop3A_282 = arith.constant 0 : i32
          %parallel_loop3A_283 = tpu.memref_slice %arg5[%and3A_221, %parallel_loop3A_281, %parallel_loop3A_282] : memref<2x16x1536xf32, #tpu.memory_space<vmem>> -> memref<1x16x1536xf32, #tpu.memory_space<vmem>>
          %parallel_loop3A_284 = tpu.memref_squeeze %parallel_loop3A_283 : memref<1x16x1536xf32, #tpu.memory_space<vmem>> -> memref<16x1536xf32, #tpu.memory_space<vmem>>
          %parallel_loop3A_285 = tpu.vector_load_idx %parallel_loop3A_284[%iota3A, %parallel_loop3A_280] : memref<16x1536xf32, #tpu.memory_space<vmem>>[vector<16xi32>, vector<16xi32>], vector<16xf32>,
          %parallel_loop3A_286 = arith.constant 0 : i32
          %parallel_loop3A_287 = vector.broadcast %parallel_loop3A_286 : i32 to vector<16xi32>
          %parallel_loop3A_288 = arith.muli %iota3A, %parallel_loop3A_287 : vector<16xi32>
          %parallel_loop3A_289 = vector.broadcast %and3A_221 : i32 to vector<16xi32>
          %parallel_loop3A_290 = arith.addi %parallel_loop3A_288, %parallel_loop3A_289 : vector<16xi32>
          %parallel_loop3A_291 = vector.broadcast %parallel_loop3A_278 : i32 to vector<16xi32>
          %parallel_loop3A_292 = arith.addi %add3A_99, %parallel_loop3A_291 : vector<16xi32>
          tpu.vector_store_idx %arg6[%parallel_loop3A_290, %parallel_loop3A_292], %parallel_loop3A_285 : memref<2x24576xf32, #tpu.memory_space<vmem>>[vector<16xi32>, vector<16xi32>], vector<16xf32>,
          %parallel_loop3A_293 = vector.broadcast %parallel_loop3A_276 : i32 to vector<16xi32>
          %parallel_loop3A_294 = arith.addi %and3A_11, %parallel_loop3A_293 : vector<16xi32>
          %parallel_loop3A_295 = arith.constant 0 : i32
          %parallel_loop3A_296 = arith.constant 0 : i32
          %parallel_loop3A_297 = tpu.memref_slice %arg5[%and3A_221, %parallel_loop3A_295, %parallel_loop3A_296] : memref<2x16x1536xf32, #tpu.memory_space<vmem>> -> memref<1x16x1536xf32, #tpu.memory_space<vmem>>
          %parallel_loop3A_298 = tpu.memref_squeeze %parallel_loop3A_297 : memref<1x16x1536xf32, #tpu.memory_space<vmem>> -> memref<16x1536xf32, #tpu.memory_space<vmem>>
          %parallel_loop3A_299 = tpu.vector_load_idx %parallel_loop3A_298[%iota3A, %parallel_loop3A_294] : memref<16x1536xf32, #tpu.memory_space<vmem>>[vector<16xi32>, vector<16xi32>], vector<16xf32>,
          %parallel_loop3A_300 = arith.constant 0 : i32
          %parallel_loop3A_301 = vector.broadcast %parallel_loop3A_300 : i32 to vector<16xi32>
          %parallel_loop3A_302 = arith.muli %iota3A, %parallel_loop3A_301 : vector<16xi32>
          %parallel_loop3A_303 = vector.broadcast %and3A_221 : i32 to vector<16xi32>
          %parallel_loop3A_304 = arith.addi %parallel_loop3A_302, %parallel_loop3A_303 : vector<16xi32>
          %parallel_loop3A_305 = vector.broadcast %parallel_loop3A_278 : i32 to vector<16xi32>
          %parallel_loop3A_306 = arith.addi %add3A_103, %parallel_loop3A_305 : vector<16xi32>
          tpu.vector_store_idx %arg6[%parallel_loop3A_304, %parallel_loop3A_306], %parallel_loop3A_299 : memref<2x24576xf32, #tpu.memory_space<vmem>>[vector<16xi32>, vector<16xi32>], vector<16xf32>,
          %parallel_loop3A_307 = vector.broadcast %parallel_loop3A_276 : i32 to vector<16xi32>
          %parallel_loop3A_308 = arith.addi %and3A_17, %parallel_loop3A_307 : vector<16xi32>
          %parallel_loop3A_309 = arith.constant 0 : i32
          %parallel_loop3A_310 = arith.constant 0 : i32
          %parallel_loop3A_311 = tpu.memref_slice %arg5[%and3A_221, %parallel_loop3A_309, %parallel_loop3A_310] : memref<2x16x1536xf32, #tpu.memory_space<vmem>> -> memref<1x16x1536xf32, #tpu.memory_space<vmem>>
          %parallel_loop3A_312 = tpu.memref_squeeze %parallel_loop3A_311 : memref<1x16x1536xf32, #tpu.memory_space<vmem>> -> memref<16x1536xf32, #tpu.memory_space<vmem>>
          %parallel_loop3A_313 = tpu.vector_load_idx %parallel_loop3A_312[%iota3A, %parallel_loop3A_308] : memref<16x1536xf32, #tpu.memory_space<vmem>>[vector<16xi32>, vector<16xi32>], vector<16xf32>,
          %parallel_loop3A_314 = arith.constant 0 : i32
          %parallel_loop3A_315 = vector.broadcast %parallel_loop3A_314 : i32 to vector<16xi32>
          %parallel_loop3A_316 = arith.muli %iota3A, %parallel_loop3A_315 : vector<16xi32>
          %parallel_loop3A_317 = vector.broadcast %and3A_221 : i32 to vector<16xi32>
          %parallel_loop3A_318 = arith.addi %parallel_loop3A_316, %parallel_loop3A_317 : vector<16xi32>
          %parallel_loop3A_319 = vector.broadcast %parallel_loop3A_278 : i32 to vector<16xi32>
          %parallel_loop3A_320 = arith.addi %add3A_107, %parallel_loop3A_319 : vector<16xi32>
          tpu.vector_store_idx %arg6[%parallel_loop3A_318, %parallel_loop3A_320], %parallel_loop3A_313 : memref<2x24576xf32, #tpu.memory_space<vmem>>[vector<16xi32>, vector<16xi32>], vector<16xf32>,
          %parallel_loop3A_321 = vector.broadcast %parallel_loop3A_276 : i32 to vector<16xi32>
          %parallel_loop3A_322 = arith.addi %and3A_23, %parallel_loop3A_321 : vector<16xi32>
          %parallel_loop3A_323 = arith.constant 0 : i32
          %parallel_loop3A_324 = arith.constant 0 : i32
          %parallel_loop3A_325 = tpu.memref_slice %arg5[%and3A_221, %parallel_loop3A_323, %parallel_loop3A_324] : memref<2x16x1536xf32, #tpu.memory_space<vmem>> -> memref<1x16x1536xf32, #tpu.memory_space<vmem>>
          %parallel_loop3A_326 = tpu.memref_squeeze %parallel_loop3A_325 : memref<1x16x1536xf32, #tpu.memory_space<vmem>> -> memref<16x1536xf32, #tpu.memory_space<vmem>>
          %parallel_loop3A_327 = tpu.vector_load_idx %parallel_loop3A_326[%iota3A, %parallel_loop3A_322] : memref<16x1536xf32, #tpu.memory_space<vmem>>[vector<16xi32>, vector<16xi32>], vector<16xf32>,
          %parallel_loop3A_328 = arith.constant 0 : i32
          %parallel_loop3A_329 = vector.broadcast %parallel_loop3A_328 : i32 to vector<16xi32>
          %parallel_loop3A_330 = arith.muli %iota3A, %parallel_loop3A_329 : vector<16xi32>
          %parallel_loop3A_331 = vector.broadcast %and3A_221 : i32 to vector<16xi32>
          %parallel_loop3A_332 = arith.addi %parallel_loop3A_330, %parallel_loop3A_331 : vector<16xi32>
          %parallel_loop3A_333 = vector.broadcast %parallel_loop3A_278 : i32 to vector<16xi32>
          %parallel_loop3A_334 = arith.addi %add3A_111, %parallel_loop3A_333 : vector<16xi32>
          tpu.vector_store_idx %arg6[%parallel_loop3A_332, %parallel_loop3A_334], %parallel_loop3A_327 : memref<2x24576xf32, #tpu.memory_space<vmem>>[vector<16xi32>, vector<16xi32>], vector<16xf32>,
          %parallel_loop3A_335 = vector.broadcast %parallel_loop3A_276 : i32 to vector<16xi32>
          %parallel_loop3A_336 = arith.addi %and3A_29, %parallel_loop3A_335 : vector<16xi32>
          %parallel_loop3A_337 = arith.constant 0 : i32
          %parallel_loop3A_338 = arith.constant 0 : i32
          %parallel_loop3A_339 = tpu.memref_slice %arg5[%and3A_221, %parallel_loop3A_337, %parallel_loop3A_338] : memref<2x16x1536xf32, #tpu.memory_space<vmem>> -> memref<1x16x1536xf32, #tpu.memory_space<vmem>>
          %parallel_loop3A_340 = tpu.memref_squeeze %parallel_loop3A_339 : memref<1x16x1536xf32, #tpu.memory_space<vmem>> -> memref<16x1536xf32, #tpu.memory_space<vmem>>
          %parallel_loop3A_341 = tpu.vector_load_idx %parallel_loop3A_340[%iota3A, %parallel_loop3A_336] : memref<16x1536xf32, #tpu.memory_space<vmem>>[vector<16xi32>, vector<16xi32>], vector<16xf32>,
          %parallel_loop3A_342 = arith.constant 0 : i32
          %parallel_loop3A_343 = vector.broadcast %parallel_loop3A_342 : i32 to vector<16xi32>
          %parallel_loop3A_344 = arith.muli %iota3A, %parallel_loop3A_343 : vector<16xi32>
          %parallel_loop3A_345 = vector.broadcast %and3A_221 : i32 to vector<16xi32>
          %parallel_loop3A_346 = arith.addi %parallel_loop3A_344, %parallel_loop3A_345 : vector<16xi32>
          %parallel_loop3A_347 = vector.broadcast %parallel_loop3A_278 : i32 to vector<16xi32>
          %parallel_loop3A_348 = arith.addi %add3A_115, %parallel_loop3A_347 : vector<16xi32>
          tpu.vector_store_idx %arg6[%parallel_loop3A_346, %parallel_loop3A_348], %parallel_loop3A_341 : memref<2x24576xf32, #tpu.memory_space<vmem>>[vector<16xi32>, vector<16xi32>], vector<16xf32>,
          %parallel_loop3A_349 = vector.broadcast %parallel_loop3A_276 : i32 to vector<16xi32>
          %parallel_loop3A_350 = arith.addi %and3A_35, %parallel_loop3A_349 : vector<16xi32>
          %parallel_loop3A_351 = arith.constant 0 : i32
          %parallel_loop3A_352 = arith.constant 0 : i32
          %parallel_loop3A_353 = tpu.memref_slice %arg5[%and3A_221, %parallel_loop3A_351, %parallel_loop3A_352] : memref<2x16x1536xf32, #tpu.memory_space<vmem>> -> memref<1x16x1536xf32, #tpu.memory_space<vmem>>
          %parallel_loop3A_354 = tpu.memref_squeeze %parallel_loop3A_353 : memref<1x16x1536xf32, #tpu.memory_space<vmem>> -> memref<16x1536xf32, #tpu.memory_space<vmem>>
          %parallel_loop3A_355 = tpu.vector_load_idx %parallel_loop3A_354[%iota3A, %parallel_loop3A_350] : memref<16x1536xf32, #tpu.memory_space<vmem>>[vector<16xi32>, vector<16xi32>], vector<16xf32>,
          %parallel_loop3A_356 = arith.constant 0 : i32
          %parallel_loop3A_357 = vector.broadcast %parallel_loop3A_356 : i32 to vector<16xi32>
          %parallel_loop3A_358 = arith.muli %iota3A, %parallel_loop3A_357 : vector<16xi32>
          %parallel_loop3A_359 = vector.broadcast %and3A_221 : i32 to vector<16xi32>
          %parallel_loop3A_360 = arith.addi %parallel_loop3A_358, %parallel_loop3A_359 : vector<16xi32>
          %parallel_loop3A_361 = vector.broadcast %parallel_loop3A_278 : i32 to vector<16xi32>
          %parallel_loop3A_362 = arith.addi %add3A_119, %parallel_loop3A_361 : vector<16xi32>
          tpu.vector_store_idx %arg6[%parallel_loop3A_360, %parallel_loop3A_362], %parallel_loop3A_355 : memref<2x24576xf32, #tpu.memory_space<vmem>>[vector<16xi32>, vector<16xi32>], vector<16xf32>,
          %parallel_loop3A_363 = vector.broadcast %parallel_loop3A_276 : i32 to vector<16xi32>
          %parallel_loop3A_364 = arith.addi %and3A_41, %parallel_loop3A_363 : vector<16xi32>
          %parallel_loop3A_365 = arith.constant 0 : i32
          %parallel_loop3A_366 = arith.constant 0 : i32
          %parallel_loop3A_367 = tpu.memref_slice %arg5[%and3A_221, %parallel_loop3A_365, %parallel_loop3A_366] : memref<2x16x1536xf32, #tpu.memory_space<vmem>> -> memref<1x16x1536xf32, #tpu.memory_space<vmem>>
          %parallel_loop3A_368 = tpu.memref_squeeze %parallel_loop3A_367 : memref<1x16x1536xf32, #tpu.memory_space<vmem>> -> memref<16x1536xf32, #tpu.memory_space<vmem>>
          %parallel_loop3A_369 = tpu.vector_load_idx %parallel_loop3A_368[%iota3A, %parallel_loop3A_364] : memref<16x1536xf32, #tpu.memory_space<vmem>>[vector<16xi32>, vector<16xi32>], vector<16xf32>,
          %parallel_loop3A_370 = arith.constant 0 : i32
          %parallel_loop3A_371 = vector.broadcast %parallel_loop3A_370 : i32 to vector<16xi32>
          %parallel_loop3A_372 = arith.muli %iota3A, %parallel_loop3A_371 : vector<16xi32>
          %parallel_loop3A_373 = vector.broadcast %and3A_221 : i32 to vector<16xi32>
          %parallel_loop3A_374 = arith.addi %parallel_loop3A_372, %parallel_loop3A_373 : vector<16xi32>
          %parallel_loop3A_375 = vector.broadcast %parallel_loop3A_278 : i32 to vector<16xi32>
          %parallel_loop3A_376 = arith.addi %add3A_123, %parallel_loop3A_375 : vector<16xi32>
          tpu.vector_store_idx %arg6[%parallel_loop3A_374, %parallel_loop3A_376], %parallel_loop3A_369 : memref<2x24576xf32, #tpu.memory_space<vmem>>[vector<16xi32>, vector<16xi32>], vector<16xf32>,
          %parallel_loop3A_377 = vector.broadcast %parallel_loop3A_276 : i32 to vector<16xi32>
          %parallel_loop3A_378 = arith.addi %and3A_47, %parallel_loop3A_377 : vector<16xi32>
          %parallel_loop3A_379 = arith.constant 0 : i32
          %parallel_loop3A_380 = arith.constant 0 : i32
          %parallel_loop3A_381 = tpu.memref_slice %arg5[%and3A_221, %parallel_loop3A_379, %parallel_loop3A_380] : memref<2x16x1536xf32, #tpu.memory_space<vmem>> -> memref<1x16x1536xf32, #tpu.memory_space<vmem>>
          %parallel_loop3A_382 = tpu.memref_squeeze %parallel_loop3A_381 : memref<1x16x1536xf32, #tpu.memory_space<vmem>> -> memref<16x1536xf32, #tpu.memory_space<vmem>>
          %parallel_loop3A_383 = tpu.vector_load_idx %parallel_loop3A_382[%iota3A, %parallel_loop3A_378] : memref<16x1536xf32, #tpu.memory_space<vmem>>[vector<16xi32>, vector<16xi32>], vector<16xf32>,
          %parallel_loop3A_384 = arith.constant 0 : i32
          %parallel_loop3A_385 = vector.broadcast %parallel_loop3A_384 : i32 to vector<16xi32>
          %parallel_loop3A_386 = arith.muli %iota3A, %parallel_loop3A_385 : vector<16xi32>
          %parallel_loop3A_387 = vector.broadcast %and3A_221 : i32 to vector<16xi32>
          %parallel_loop3A_388 = arith.addi %parallel_loop3A_386, %parallel_loop3A_387 : vector<16xi32>
          %parallel_loop3A_389 = vector.broadcast %parallel_loop3A_278 : i32 to vector<16xi32>
          %parallel_loop3A_390 = arith.addi %add3A_127, %parallel_loop3A_389 : vector<16xi32>
          tpu.vector_store_idx %arg6[%parallel_loop3A_388, %parallel_loop3A_390], %parallel_loop3A_383 : memref<2x24576xf32, #tpu.memory_space<vmem>>[vector<16xi32>, vector<16xi32>], vector<16xf32>,
          %parallel_loop3A_391 = vector.broadcast %parallel_loop3A_276 : i32 to vector<16xi32>
          %parallel_loop3A_392 = arith.addi %and3A_53, %parallel_loop3A_391 : vector<16xi32>
          %parallel_loop3A_393 = arith.constant 0 : i32
          %parallel_loop3A_394 = arith.constant 0 : i32
          %parallel_loop3A_395 = tpu.memref_slice %arg5[%and3A_221, %parallel_loop3A_393, %parallel_loop3A_394] : memref<2x16x1536xf32, #tpu.memory_space<vmem>> -> memref<1x16x1536xf32, #tpu.memory_space<vmem>>
          %parallel_loop3A_396 = tpu.memref_squeeze %parallel_loop3A_395 : memref<1x16x1536xf32, #tpu.memory_space<vmem>> -> memref<16x1536xf32, #tpu.memory_space<vmem>>
          %parallel_loop3A_397 = tpu.vector_load_idx %parallel_loop3A_396[%iota3A, %parallel_loop3A_392] : memref<16x1536xf32, #tpu.memory_space<vmem>>[vector<16xi32>, vector<16xi32>], vector<16xf32>,
          %parallel_loop3A_398 = arith.constant 0 : i32
          %parallel_loop3A_399 = vector.broadcast %parallel_loop3A_398 : i32 to vector<16xi32>
          %parallel_loop3A_400 = arith.muli %iota3A, %parallel_loop3A_399 : vector<16xi32>
          %parallel_loop3A_401 = vector.broadcast %and3A_221 : i32 to vector<16xi32>
          %parallel_loop3A_402 = arith.addi %parallel_loop3A_400, %parallel_loop3A_401 : vector<16xi32>
          %parallel_loop3A_403 = vector.broadcast %parallel_loop3A_278 : i32 to vector<16xi32>
          %parallel_loop3A_404 = arith.addi %add3A_131, %parallel_loop3A_403 : vector<16xi32>
          tpu.vector_store_idx %arg6[%parallel_loop3A_402, %parallel_loop3A_404], %parallel_loop3A_397 : memref<2x24576xf32, #tpu.memory_space<vmem>>[vector<16xi32>, vector<16xi32>], vector<16xf32>,
          %parallel_loop3A_405 = vector.broadcast %parallel_loop3A_276 : i32 to vector<16xi32>
          %parallel_loop3A_406 = arith.addi %and3A_59, %parallel_loop3A_405 : vector<16xi32>
          %parallel_loop3A_407 = arith.constant 0 : i32
          %parallel_loop3A_408 = arith.constant 0 : i32
          %parallel_loop3A_409 = tpu.memref_slice %arg5[%and3A_221, %parallel_loop3A_407, %parallel_loop3A_408] : memref<2x16x1536xf32, #tpu.memory_space<vmem>> -> memref<1x16x1536xf32, #tpu.memory_space<vmem>>
          %parallel_loop3A_410 = tpu.memref_squeeze %parallel_loop3A_409 : memref<1x16x1536xf32, #tpu.memory_space<vmem>> -> memref<16x1536xf32, #tpu.memory_space<vmem>>
          %parallel_loop3A_411 = tpu.vector_load_idx %parallel_loop3A_410[%iota3A, %parallel_loop3A_406] : memref<16x1536xf32, #tpu.memory_space<vmem>>[vector<16xi32>, vector<16xi32>], vector<16xf32>,
          %parallel_loop3A_412 = arith.constant 0 : i32
          %parallel_loop3A_413 = vector.broadcast %parallel_loop3A_412 : i32 to vector<16xi32>
          %parallel_loop3A_414 = arith.muli %iota3A, %parallel_loop3A_413 : vector<16xi32>
          %parallel_loop3A_415 = vector.broadcast %and3A_221 : i32 to vector<16xi32>
          %parallel_loop3A_416 = arith.addi %parallel_loop3A_414, %parallel_loop3A_415 : vector<16xi32>
          %parallel_loop3A_417 = vector.broadcast %parallel_loop3A_278 : i32 to vector<16xi32>
          %parallel_loop3A_418 = arith.addi %add3A_135, %parallel_loop3A_417 : vector<16xi32>
          tpu.vector_store_idx %arg6[%parallel_loop3A_416, %parallel_loop3A_418], %parallel_loop3A_411 : memref<2x24576xf32, #tpu.memory_space<vmem>>[vector<16xi32>, vector<16xi32>], vector<16xf32>,
          %parallel_loop3A_419 = vector.broadcast %parallel_loop3A_276 : i32 to vector<16xi32>
          %parallel_loop3A_420 = arith.addi %and3A_65, %parallel_loop3A_419 : vector<16xi32>
          %parallel_loop3A_421 = arith.constant 0 : i32
          %parallel_loop3A_422 = arith.constant 0 : i32
          %parallel_loop3A_423 = tpu.memref_slice %arg5[%and3A_221, %parallel_loop3A_421, %parallel_loop3A_422] : memref<2x16x1536xf32, #tpu.memory_space<vmem>> -> memref<1x16x1536xf32, #tpu.memory_space<vmem>>
          %parallel_loop3A_424 = tpu.memref_squeeze %parallel_loop3A_423 : memref<1x16x1536xf32, #tpu.memory_space<vmem>> -> memref<16x1536xf32, #tpu.memory_space<vmem>>
          %parallel_loop3A_425 = tpu.vector_load_idx %parallel_loop3A_424[%iota3A, %parallel_loop3A_420] : memref<16x1536xf32, #tpu.memory_space<vmem>>[vector<16xi32>, vector<16xi32>], vector<16xf32>,
          %parallel_loop3A_426 = arith.constant 0 : i32
          %parallel_loop3A_427 = vector.broadcast %parallel_loop3A_426 : i32 to vector<16xi32>
          %parallel_loop3A_428 = arith.muli %iota3A, %parallel_loop3A_427 : vector<16xi32>
          %parallel_loop3A_429 = vector.broadcast %and3A_221 : i32 to vector<16xi32>
          %parallel_loop3A_430 = arith.addi %parallel_loop3A_428, %parallel_loop3A_429 : vector<16xi32>
          %parallel_loop3A_431 = vector.broadcast %parallel_loop3A_278 : i32 to vector<16xi32>
          %parallel_loop3A_432 = arith.addi %add3A_139, %parallel_loop3A_431 : vector<16xi32>
          tpu.vector_store_idx %arg6[%parallel_loop3A_430, %parallel_loop3A_432], %parallel_loop3A_425 : memref<2x24576xf32, #tpu.memory_space<vmem>>[vector<16xi32>, vector<16xi32>], vector<16xf32>,
          %parallel_loop3A_433 = vector.broadcast %parallel_loop3A_276 : i32 to vector<16xi32>
          %parallel_loop3A_434 = arith.addi %and3A_71, %parallel_loop3A_433 : vector<16xi32>
          %parallel_loop3A_435 = arith.constant 0 : i32
          %parallel_loop3A_436 = arith.constant 0 : i32
          %parallel_loop3A_437 = tpu.memref_slice %arg5[%and3A_221, %parallel_loop3A_435, %parallel_loop3A_436] : memref<2x16x1536xf32, #tpu.memory_space<vmem>> -> memref<1x16x1536xf32, #tpu.memory_space<vmem>>
          %parallel_loop3A_438 = tpu.memref_squeeze %parallel_loop3A_437 : memref<1x16x1536xf32, #tpu.memory_space<vmem>> -> memref<16x1536xf32, #tpu.memory_space<vmem>>
          %parallel_loop3A_439 = tpu.vector_load_idx %parallel_loop3A_438[%iota3A, %parallel_loop3A_434] : memref<16x1536xf32, #tpu.memory_space<vmem>>[vector<16xi32>, vector<16xi32>], vector<16xf32>,
          %parallel_loop3A_440 = arith.constant 0 : i32
          %parallel_loop3A_441 = vector.broadcast %parallel_loop3A_440 : i32 to vector<16xi32>
          %parallel_loop3A_442 = arith.muli %iota3A, %parallel_loop3A_441 : vector<16xi32>
          %parallel_loop3A_443 = vector.broadcast %and3A_221 : i32 to vector<16xi32>
          %parallel_loop3A_444 = arith.addi %parallel_loop3A_442, %parallel_loop3A_443 : vector<16xi32>
          %parallel_loop3A_445 = vector.broadcast %parallel_loop3A_278 : i32 to vector<16xi32>
          %parallel_loop3A_446 = arith.addi %add3A_143, %parallel_loop3A_445 : vector<16xi32>
          tpu.vector_store_idx %arg6[%parallel_loop3A_444, %parallel_loop3A_446], %parallel_loop3A_439 : memref<2x24576xf32, #tpu.memory_space<vmem>>[vector<16xi32>, vector<16xi32>], vector<16xf32>,
          %parallel_loop3A_447 = vector.broadcast %parallel_loop3A_276 : i32 to vector<16xi32>
          %parallel_loop3A_448 = arith.addi %and3A_77, %parallel_loop3A_447 : vector<16xi32>
          %parallel_loop3A_449 = arith.constant 0 : i32
          %parallel_loop3A_450 = arith.constant 0 : i32
          %parallel_loop3A_451 = tpu.memref_slice %arg5[%and3A_221, %parallel_loop3A_449, %parallel_loop3A_450] : memref<2x16x1536xf32, #tpu.memory_space<vmem>> -> memref<1x16x1536xf32, #tpu.memory_space<vmem>>
          %parallel_loop3A_452 = tpu.memref_squeeze %parallel_loop3A_451 : memref<1x16x1536xf32, #tpu.memory_space<vmem>> -> memref<16x1536xf32, #tpu.memory_space<vmem>>
          %parallel_loop3A_453 = tpu.vector_load_idx %parallel_loop3A_452[%iota3A, %parallel_loop3A_448] : memref<16x1536xf32, #tpu.memory_space<vmem>>[vector<16xi32>, vector<16xi32>], vector<16xf32>,
          %parallel_loop3A_454 = arith.constant 0 : i32
          %parallel_loop3A_455 = vector.broadcast %parallel_loop3A_454 : i32 to vector<16xi32>
          %parallel_loop3A_456 = arith.muli %iota3A, %parallel_loop3A_455 : vector<16xi32>
          %parallel_loop3A_457 = vector.broadcast %and3A_221 : i32 to vector<16xi32>
          %parallel_loop3A_458 = arith.addi %parallel_loop3A_456, %parallel_loop3A_457 : vector<16xi32>
          %parallel_loop3A_459 = vector.broadcast %parallel_loop3A_278 : i32 to vector<16xi32>
          %parallel_loop3A_460 = arith.addi %add3A_147, %parallel_loop3A_459 : vector<16xi32>
          tpu.vector_store_idx %arg6[%parallel_loop3A_458, %parallel_loop3A_460], %parallel_loop3A_453 : memref<2x24576xf32, #tpu.memory_space<vmem>>[vector<16xi32>, vector<16xi32>], vector<16xf32>,
          %parallel_loop3A_461 = vector.broadcast %parallel_loop3A_276 : i32 to vector<16xi32>
          %parallel_loop3A_462 = arith.addi %and3A_83, %parallel_loop3A_461 : vector<16xi32>
          %parallel_loop3A_463 = arith.constant 0 : i32
          %parallel_loop3A_464 = arith.constant 0 : i32
          %parallel_loop3A_465 = tpu.memref_slice %arg5[%and3A_221, %parallel_loop3A_463, %parallel_loop3A_464] : memref<2x16x1536xf32, #tpu.memory_space<vmem>> -> memref<1x16x1536xf32, #tpu.memory_space<vmem>>
          %parallel_loop3A_466 = tpu.memref_squeeze %parallel_loop3A_465 : memref<1x16x1536xf32, #tpu.memory_space<vmem>> -> memref<16x1536xf32, #tpu.memory_space<vmem>>
          %parallel_loop3A_467 = tpu.vector_load_idx %parallel_loop3A_466[%iota3A, %parallel_loop3A_462] : memref<16x1536xf32, #tpu.memory_space<vmem>>[vector<16xi32>, vector<16xi32>], vector<16xf32>,
          %parallel_loop3A_468 = arith.constant 0 : i32
          %parallel_loop3A_469 = vector.broadcast %parallel_loop3A_468 : i32 to vector<16xi32>
          %parallel_loop3A_470 = arith.muli %iota3A, %parallel_loop3A_469 : vector<16xi32>
          %parallel_loop3A_471 = vector.broadcast %and3A_221 : i32 to vector<16xi32>
          %parallel_loop3A_472 = arith.addi %parallel_loop3A_470, %parallel_loop3A_471 : vector<16xi32>
          %parallel_loop3A_473 = vector.broadcast %parallel_loop3A_278 : i32 to vector<16xi32>
          %parallel_loop3A_474 = arith.addi %add3A_151, %parallel_loop3A_473 : vector<16xi32>
          tpu.vector_store_idx %arg6[%parallel_loop3A_472, %parallel_loop3A_474], %parallel_loop3A_467 : memref<2x24576xf32, #tpu.memory_space<vmem>>[vector<16xi32>, vector<16xi32>], vector<16xf32>,
          %parallel_loop3A_475 = vector.broadcast %parallel_loop3A_276 : i32 to vector<16xi32>
          %parallel_loop3A_476 = arith.addi %and3A_89, %parallel_loop3A_475 : vector<16xi32>
          %parallel_loop3A_477 = arith.constant 0 : i32
          %parallel_loop3A_478 = arith.constant 0 : i32
          %parallel_loop3A_479 = tpu.memref_slice %arg5[%and3A_221, %parallel_loop3A_477, %parallel_loop3A_478] : memref<2x16x1536xf32, #tpu.memory_space<vmem>> -> memref<1x16x1536xf32, #tpu.memory_space<vmem>>
          %parallel_loop3A_480 = tpu.memref_squeeze %parallel_loop3A_479 : memref<1x16x1536xf32, #tpu.memory_space<vmem>> -> memref<16x1536xf32, #tpu.memory_space<vmem>>
          %parallel_loop3A_481 = tpu.vector_load_idx %parallel_loop3A_480[%iota3A, %parallel_loop3A_476] : memref<16x1536xf32, #tpu.memory_space<vmem>>[vector<16xi32>, vector<16xi32>], vector<16xf32>,
          %parallel_loop3A_482 = arith.constant 0 : i32
          %parallel_loop3A_483 = vector.broadcast %parallel_loop3A_482 : i32 to vector<16xi32>
          %parallel_loop3A_484 = arith.muli %iota3A, %parallel_loop3A_483 : vector<16xi32>
          %parallel_loop3A_485 = vector.broadcast %and3A_221 : i32 to vector<16xi32>
          %parallel_loop3A_486 = arith.addi %parallel_loop3A_484, %parallel_loop3A_485 : vector<16xi32>
          %parallel_loop3A_487 = vector.broadcast %parallel_loop3A_278 : i32 to vector<16xi32>
          %parallel_loop3A_488 = arith.addi %add3A_155, %parallel_loop3A_487 : vector<16xi32>
          tpu.vector_store_idx %arg6[%parallel_loop3A_486, %parallel_loop3A_488], %parallel_loop3A_481 : memref<2x24576xf32, #tpu.memory_space<vmem>>[vector<16xi32>, vector<16xi32>], vector<16xf32>,
          %parallel_loop3A_489 = vector.broadcast %parallel_loop3A_276 : i32 to vector<16xi32>
          %parallel_loop3A_490 = arith.addi %and3A_95, %parallel_loop3A_489 : vector<16xi32>
          %parallel_loop3A_491 = arith.constant 0 : i32
          %parallel_loop3A_492 = arith.constant 0 : i32
          %parallel_loop3A_493 = tpu.memref_slice %arg5[%and3A_221, %parallel_loop3A_491, %parallel_loop3A_492] : memref<2x16x1536xf32, #tpu.memory_space<vmem>> -> memref<1x16x1536xf32, #tpu.memory_space<vmem>>
          %parallel_loop3A_494 = tpu.memref_squeeze %parallel_loop3A_493 : memref<1x16x1536xf32, #tpu.memory_space<vmem>> -> memref<16x1536xf32, #tpu.memory_space<vmem>>
          %parallel_loop3A_495 = tpu.vector_load_idx %parallel_loop3A_494[%iota3A, %parallel_loop3A_490] : memref<16x1536xf32, #tpu.memory_space<vmem>>[vector<16xi32>, vector<16xi32>], vector<16xf32>,
          %parallel_loop3A_496 = arith.constant 0 : i32
          %parallel_loop3A_497 = vector.broadcast %parallel_loop3A_496 : i32 to vector<16xi32>
          %parallel_loop3A_498 = arith.muli %iota3A, %parallel_loop3A_497 : vector<16xi32>
          %parallel_loop3A_499 = vector.broadcast %and3A_221 : i32 to vector<16xi32>
          %parallel_loop3A_500 = arith.addi %parallel_loop3A_498, %parallel_loop3A_499 : vector<16xi32>
          %parallel_loop3A_501 = vector.broadcast %parallel_loop3A_278 : i32 to vector<16xi32>
          %parallel_loop3A_502 = arith.addi %add3A_159, %parallel_loop3A_501 : vector<16xi32>
          tpu.vector_store_idx %arg6[%parallel_loop3A_500, %parallel_loop3A_502], %parallel_loop3A_495 : memref<2x24576xf32, #tpu.memory_space<vmem>>[vector<16xi32>, vector<16xi32>], vector<16xf32>,
        } {sc.loop_unroll_factor = 2 : i64, sc.parallel_access}
        %mul3A_257 = arith.constant 32 : i32
        %mul3A_258 = arith.muli %scan3A_212, %mul3A_257 : i32
        %add3A_259 = arith.addi %add3A, %mul3A_258 : i32
        %and3A_260 = arith.constant 1 : i32
        %and3A_261 = arith.andi %scan3A_212, %and3A_260 : i32
        %mul3A_262 = arith.constant 1536 : i32
        %mul3A_263 = arith.muli %add3A_259, %mul3A_262 : i32
        %mul3A_264 = arith.constant 16 : i32
        %mul3A_265 = arith.muli %mul3A_263, %mul3A_264 : i32
        %dma_start3A_266 = arith.constant 0 : i32
        %dma_start3A_267 = tpu.memref_slice %arg6[%and3A_261, %dma_start3A_266] : memref<2x24576xf32, #tpu.memory_space<vmem>> -> memref<1x24576xf32, #tpu.memory_space<vmem>>
        %dma_start3A_268 = tpu.memref_squeeze %dma_start3A_267 : memref<1x24576xf32, #tpu.memory_space<vmem>> -> memref<24576xf32, #tpu.memory_space<vmem>>
        %dma_start3A_269 = tpu.memref_slice %arg4[%mul3A_265] : memref<16000000xf32, #tpu.memory_space<hbm>> -> memref<24576xf32, #tpu.memory_space<hbm>>
        %dma_start3A_270 = tpu.memref_slice %arg4[%mul3A_265] : memref<16000000xf32, #tpu.memory_space<hbm>> -> memref<24576xf32, #tpu.memory_space<hbm>>
        %dma_start3A_271 = arith.constant 0 : i32
        %dma_start3A_272 = tpu.memref_slice %arg6[%and3A_261, %dma_start3A_271] : memref<2x24576xf32, #tpu.memory_space<vmem>> -> memref<1x24576xf32, #tpu.memory_space<vmem>>
        %dma_start3A_273 = tpu.memref_squeeze %dma_start3A_272 : memref<1x24576xf32, #tpu.memory_space<vmem>> -> memref<24576xf32, #tpu.memory_space<vmem>>
        tpu.enqueue_dma source(%dma_start3A_273 : memref<24576xf32, #tpu.memory_space<vmem>>) target(%dma_start3A_270 : memref<24576xf32, #tpu.memory_space<hbm>>) target_semaphore(%arg10 : memref<!tpu.dma_semaphore, #tpu.memory_space<semaphore_mem>>)
      } else {
      }
    }
    %scan3A_180 = arith.constant 21 : i32
    %add3A_181 = arith.constant 0 : i32
    %add3A_182 = arith.addi %add3A, %add3A_181 : i32
    %mul3A_183 = arith.constant 1536 : i32
    %mul3A_184 = arith.muli %add3A_182, %mul3A_183 : i32
    %mul3A_185 = arith.constant 16 : i32
    %mul3A_186 = arith.muli %mul3A_184, %mul3A_185 : i32
    %dma_wait3A = arith.constant 0 : i32
    %dma_wait3A_187 = arith.constant 0 : i32
    %dma_wait3A_188 = tpu.memref_slice %arg6[%dma_wait3A, %dma_wait3A_187] : memref<2x24576xf32, #tpu.memory_space<vmem>> -> memref<1x24576xf32, #tpu.memory_space<vmem>>
    %dma_wait3A_189 = tpu.memref_squeeze %dma_wait3A_188 : memref<1x24576xf32, #tpu.memory_space<vmem>> -> memref<24576xf32, #tpu.memory_space<vmem>>
    %dma_wait3A_190 = tpu.memref_slice %arg4[%mul3A_186] : memref<16000000xf32, #tpu.memory_space<hbm>> -> memref<24576xf32, #tpu.memory_space<hbm>>
    %dma_wait3A_191 = tpu.memref_slice %arg4[%mul3A_186] : memref<16000000xf32, #tpu.memory_space<hbm>> -> memref<24576xf32, #tpu.memory_space<hbm>>
    %dma_wait3A_192 = arith.constant 0 : i32
    %dma_wait3A_193 = tpu.memref_slice %arg6[%dma_wait3A, %dma_wait3A_192] : memref<2x24576xf32, #tpu.memory_space<vmem>> -> memref<1x24576xf32, #tpu.memory_space<vmem>>
    %dma_wait3A_194 = tpu.memref_squeeze %dma_wait3A_193 : memref<1x24576xf32, #tpu.memory_space<vmem>> -> memref<24576xf32, #tpu.memory_space<vmem>>
    tpu.wait_dma2 semaphore(%arg10 : memref<!tpu.dma_semaphore, #tpu.memory_space<semaphore_mem>>) src(%dma_wait3A_194 : memref<24576xf32, #tpu.memory_space<vmem>>) dst(%dma_wait3A_191 : memref<24576xf32, #tpu.memory_space<hbm>>)
    %add3A_195 = arith.constant 32 : i32
    %add3A_196 = arith.addi %add3A, %add3A_195 : i32
    %mul3A_197 = arith.constant 1536 : i32
    %mul3A_198 = arith.muli %add3A_196, %mul3A_197 : i32
    %mul3A_199 = arith.constant 16 : i32
    %mul3A_200 = arith.muli %mul3A_198, %mul3A_199 : i32
    %dma_wait3A_201 = arith.constant 1 : i32
    %dma_wait3A_202 = arith.constant 0 : i32
    %dma_wait3A_203 = tpu.memref_slice %arg6[%dma_wait3A_201, %dma_wait3A_202] : memref<2x24576xf32, #tpu.memory_space<vmem>> -> memref<1x24576xf32, #tpu.memory_space<vmem>>
    %dma_wait3A_204 = tpu.memref_squeeze %dma_wait3A_203 : memref<1x24576xf32, #tpu.memory_space<vmem>> -> memref<24576xf32, #tpu.memory_space<vmem>>
    %dma_wait3A_205 = tpu.memref_slice %arg4[%mul3A_200] : memref<16000000xf32, #tpu.memory_space<hbm>> -> memref<24576xf32, #tpu.memory_space<hbm>>
    %dma_wait3A_206 = tpu.memref_slice %arg4[%mul3A_200] : memref<16000000xf32, #tpu.memory_space<hbm>> -> memref<24576xf32, #tpu.memory_space<hbm>>
    %dma_wait3A_207 = arith.constant 0 : i32
    %dma_wait3A_208 = tpu.memref_slice %arg6[%dma_wait3A_201, %dma_wait3A_207] : memref<2x24576xf32, #tpu.memory_space<vmem>> -> memref<1x24576xf32, #tpu.memory_space<vmem>>
    %dma_wait3A_209 = tpu.memref_squeeze %dma_wait3A_208 : memref<1x24576xf32, #tpu.memory_space<vmem>> -> memref<24576xf32, #tpu.memory_space<vmem>>
    tpu.wait_dma2 semaphore(%arg10 : memref<!tpu.dma_semaphore, #tpu.memory_space<semaphore_mem>>) src(%dma_wait3A_209 : memref<24576xf32, #tpu.memory_space<vmem>>) dst(%dma_wait3A_206 : memref<24576xf32, #tpu.memory_space<hbm>>)
    %eq3A = arith.constant 0 : i32
    %eq3A_210 = arith.cmpi eq, %add3A, %eq3A : i32
    %convert_element_type3A = arith.extui %eq3A_210 : i1 to i32
    %cond3A = arith.constant 0 : i32
    %cond3A_211 = arith.cmpi ne, %convert_element_type3A, %cond3A : i32
    scf.if %cond3A_211 {
      "tpu.region"() ({
        %run_scoped3A = tpu.sem_alloc : memref<!tpu.dma_semaphore, #tpu.memory_space<semaphore_mem>>
        tpu.enqueue_dma source(%arg3 : memref<64x16xf32, #tpu.memory_space<hbm>>) target(%arg7 : memref<64x16xf32, #tpu.memory_space<vmem>>) target_semaphore(%run_scoped3A : memref<!tpu.dma_semaphore, #tpu.memory_space<semaphore_mem>>)
        tpu.wait_dma2 semaphore(%run_scoped3A : memref<!tpu.dma_semaphore, #tpu.memory_space<semaphore_mem>>) src(%arg3 : memref<64x16xf32, #tpu.memory_space<hbm>>) dst(%arg7 : memref<64x16xf32, #tpu.memory_space<vmem>>)
        tpu.yield
      }) : () -> ()
      %parallel_loop3A = arith.constant 0 : i32
      %parallel_loop3A_212 = arith.constant 64 : i32
      %parallel_loop3A_213 = arith.constant 1 : i32
      scf.for %parallel_loop3A_214 = %parallel_loop3A to %parallel_loop3A_212 step %parallel_loop3A_213  : i32 {
        %parallel_loop3A_215 = arith.constant 0 : i32
        %parallel_loop3A_216 = vector.broadcast %parallel_loop3A_215 : i32 to vector<16xi32>
        %parallel_loop3A_217 = arith.muli %iota3A, %parallel_loop3A_216 : vector<16xi32>
        %parallel_loop3A_218 = vector.broadcast %parallel_loop3A_214 : i32 to vector<16xi32>
        %parallel_loop3A_219 = arith.addi %parallel_loop3A_217, %parallel_loop3A_218 : vector<16xi32>
        %parallel_loop3A_220 = tpu.vector_load_idx %arg7[%parallel_loop3A_219, %iota3A] : memref<64x16xf32, #tpu.memory_space<vmem>>[vector<16xi32>, vector<16xi32>], vector<16xf32>,
        %parallel_loop3A_221 = arith.constant 16 : i32
        %parallel_loop3A_222 = arith.muli %parallel_loop3A_214, %parallel_loop3A_221 : i32
        %parallel_loop3A_223 = arith.index_cast %parallel_loop3A_222 : i32 to index
        %parallel_loop3A_224 = tpu.vector_load %arg8[%parallel_loop3A_223] {strides = array<i32>} : memref<1024xf32, #tpu.memory_space<vmem>>, vector<16xf32>,
        tpu.vector_store %arg8[%parallel_loop3A_223], %parallel_loop3A_220 {strides = array<i32>} : memref<1024xf32, #tpu.memory_space<vmem>>, vector<16xf32>,
      } {sc.loop_unroll_factor = 8 : i64, sc.parallel_access}
      "tpu.region"() ({
        %run_scoped3A = tpu.sem_alloc : memref<!tpu.dma_semaphore, #tpu.memory_space<semaphore_mem>>
        %dma_start3A_214 = arith.constant 15998976 : i32
        %dma_start3A_215 = tpu.memref_slice %arg4[%dma_start3A_214] : memref<16000000xf32, #tpu.memory_space<hbm>> -> memref<1024xf32, #tpu.memory_space<hbm>>
        %dma_start3A_216 = arith.constant 15998976 : i32
        %dma_start3A_217 = tpu.memref_slice %arg4[%dma_start3A_216] : memref<16000000xf32, #tpu.memory_space<hbm>> -> memref<1024xf32, #tpu.memory_space<hbm>>
        tpu.enqueue_dma source(%arg8 : memref<1024xf32, #tpu.memory_space<vmem>>) target(%dma_start3A_217 : memref<1024xf32, #tpu.memory_space<hbm>>) target_semaphore(%run_scoped3A : memref<!tpu.dma_semaphore, #tpu.memory_space<semaphore_mem>>)
        %dma_wait3A_218 = arith.constant 15998976 : i32
        %dma_wait3A_219 = tpu.memref_slice %arg4[%dma_wait3A_218] : memref<16000000xf32, #tpu.memory_space<hbm>> -> memref<1024xf32, #tpu.memory_space<hbm>>
        %dma_wait3A_220 = arith.constant 15998976 : i32
        %dma_wait3A_221 = tpu.memref_slice %arg4[%dma_wait3A_220] : memref<16000000xf32, #tpu.memory_space<hbm>> -> memref<1024xf32, #tpu.memory_space<hbm>>
        tpu.wait_dma2 semaphore(%run_scoped3A : memref<!tpu.dma_semaphore, #tpu.memory_space<semaphore_mem>>) src(%arg8 : memref<1024xf32, #tpu.memory_space<vmem>>) dst(%dma_wait3A_221 : memref<1024xf32, #tpu.memory_space<hbm>>)
        tpu.yield
      }) : () -> ()
    } else {
    }
    return
  }
}

</mosaic_0001>

<sc_bundles>
// kernel: kernel.4.cloned.1.call-start
scs
__scs_entry_jumppad:
0x0: {  	(pc) =	sbr.rel $0x88, $3  }
0x1: {  	(tag) =	ssettag $0x0;
	lr =	simm.s32 $0x1  }
0x2: {  	[smem:$0x3F9F] =	sst lr;
	_ =	strace $0xD0000000  }
0x3: {  	_ = 	snop  }
0x4: {  	_ = 	snop  }
0x5: {  	_ = 	snop  }
0x6: {  	_ = 	snop  }
0x7: {  	_ = 	snop  }
__scs_overlays_trampoline_lowered:
0x8: {  	[smem:$0x3FAE] =	sst s0  }
0x9: {  	[smem:$0x3FAF] =	sst s1  }
0xa: {  	[smem:$0x3FB0] =	sst s2  }
0xb: {  	[smem:$0x3FB1] =	sst s3  }
0xc: {  	[smem:$0x3FB2] =	sst s4  }
0xd: {  	[smem:$0x3FB3] =	sst s5  }
0xe: {  	[smem:$0x3FB4] =	sst s6  }
0xf: {  	[smem:$0x3FB5] =	sst s7  }
0x10: {  	[smem:$0x3FB6] =	sst s8  }
0x11: {  	[smem:$0x3FB7] =	sst s9;
	s0 =	simm.s32 @!p0 $0x0  }
0x12: {  	s1 =	sld [smem:$0x3F9D];
	s0 =	simm.s32 @p0 $0x1  }
0x13: {  	[smem:$0x3FB8] =	sst s0;
	s0 =	simm.s32 @!p1 $0x0  }
0x14: {  	s2 =	sld [smem:$0x3F9C];
	s0 =	simm.s32 @p1 $0x1  }
0x15: {  	[smem:$0x3FB9] =	sst s0;
	s0 =	simm.s32 @!p2 $0x0  }
0x16: {  	s3 =	sld [smem:$0x3FDB];
	s0 =	simm.s32 @p2 $0x1  }
0x17: {  	s4 =	simm.s32 $0x1BF5;
	[smem:$0x3FBB] =	sst s0  }
0x18: {  	s0 =	sld [smem:$0x3F9E];
	_ =	swait.ge [sflag:s4], $0x0  }
0x19: {  	s7 =	sld [smem:$0x3F9F]  }
0x1a: {  	s8 =	sadd.s32 $0xFFFFE003, lr  }
0x1b: {  	s9 =	sadd.s32 $0xFFFFFEF7, lr;
	s5 =	simm.s32 $0xFFFFFFFF;
	p2 =	slt.u32 s8, $0xFFFFF086  }
0x1c: {  	p1 =	slt.u32 s9, $0xF7A;
	s5 =	simm.s32 @!p2 $0x0  }
0x1d: {  	s5 =	simm.s32 @p1 $0x1;
	p0 =	seq.s32 s7, s2  }
0x1e: {  	s7 =	smul.u32 @!p0 $0xF7A, s2;
	p2 =	seq.s32 @!p0 s5, $0x0  }
0x1f: {  	s9 =	smul.u32 $0xF7A, s1;
	s8 =	simm.s32 @!p0 $0x1BF5;
	p2 =	por !p2, p0  }
0x20: {  	[sflag:s8] =	ssyncset.s32 @!p0 $0xFFFFF086;
	s6 =	sadd.s32 @!p0 s3, s7;
	s7 =	simm.s32 @!p0 $0x108  }
0x21: {  	s3 =	sadd.s32 s3, s9;
	s6 =	sadd.s32 @!p0 $0x88, s6;
	s7 =	simm.s32 @p2 $0x1082  }
0x22: {  	[simem:s7], [sflag:s8] =	dma.local @!p0 [hbm:s6], $0xF7A  }
0x23: {  	s9 =	sor.u32 $0xD0000000, s2;
	s6 =	simm.s32 $0x108;
	_ =	swait.ge @!p0 [sflag:s8], $0x0  }
0x24: {  	s3 =	sadd.s32 $0x88, s3;
	s6 =	simm.s32 @!p1 $0x1082;
	[sflag:s4] =	ssyncset.s32 $0xFFFFF086  }
0x25: {  	[simem:s6], [sflag:s4] =	dma.local [hbm:s3], $0xF7A  }
0x26: {  	[smem:$0x3F9F] =	sst s1;
	(tag) =	ssettag s2;
	_ =	strace s9  }
0x27: {  	s1 =	sld [smem:$0x3FAF]  }
0x28: {  	s2 =	sld [smem:$0x3FB0]  }
0x29: {  	s4 =	sld [smem:$0x3FB2]  }
0x2a: {  	p0 =	seq.s32 s5, $0x0;
	s5 =	sld [smem:$0x3FB3]  }
0x2b: {  	s6 =	sld [smem:$0x3FB4]  }
0x2c: {  	s7 =	sld [smem:$0x3FB5]  }
0x2d: {  	s3 =	simm.s32 $0x108;
	s8 =	sld [smem:$0x3FB6]  }
0x2e: {  	s3 =	simm.s32 @!p0 $0x1082;
	s9 =	sld [smem:$0x3FB7]  }
0x2f: {  	lr =	sadd.s32 s0, s3;
	s0 =	sld [smem:$0x3FAE]  }
0x30: {  	s3 =	sld [smem:$0x3FB1]  }
0x31: {  	[smem:$0x3FBA] =	sst s10  }
0x32: {  	s10 =	sld [smem:$0x3FB8];
	_ =	sdelay $0x3  }
0x33: {  	p0 =	seq.s32 s10, $0x1;
	s10 =	sld [smem:$0x3FBA];
	_ =	sdelay $0x3  }
0x34: {  	[smem:$0x3FBA] =	sst s10  }
0x35: {  	s10 =	sld [smem:$0x3FB9];
	_ =	sdelay $0x3  }
0x36: {  	p1 =	seq.s32 s10, $0x1;
	s10 =	sld [smem:$0x3FBA];
	_ =	sdelay $0x3  }
0x37: {  	[smem:$0x3FBA] =	sst s10  }
0x38: {  	s10 =	sld [smem:$0x3FBB]  }
0x39: {  	_ = 	snop;
	(pc) =	sbr.ind lr, $3  }
0x3a: {  	_ = 	snop  }
0x3b: {  	_ = 	snop  }
0x3c: {  	p2 =	seq.s32 s10, $0x1;
	s10 =	sld [smem:$0x3FBA]  }
0x3d: {  	_ =	shalt  }
0x3e: {  	_ =	shalt  }
0x3f: {  	_ =	shalt  }
0x40: {  	_ =	shalt  }
0x41: {  	_ =	shalt  }
0x42: {  	_ =	shalt  }
0x43: {  	_ =	shalt  }
0x44: {  	_ =	shalt  }
0x45: {  	_ =	shalt  }
0x46: {  	_ =	shalt  }
0x47: {  	_ =	shalt  }
0x48: {  	_ =	shalt  }
0x49: {  	_ =	shalt  }
0x4a: {  	_ =	shalt  }
0x4b: {  	_ =	shalt  }
0x4c: {  	_ =	shalt  }
0x4d: {  	_ =	shalt  }
0x4e: {  	_ =	shalt  }
0x4f: {  	_ =	shalt  }
0x50: {  	_ =	shalt  }
0x51: {  	_ =	shalt  }
0x52: {  	_ =	shalt  }
0x53: {  	_ =	shalt  }
0x54: {  	_ =	shalt  }
0x55: {  	_ =	shalt  }
0x56: {  	_ =	shalt  }
0x57: {  	_ =	shalt  }
0x58: {  	_ =	shalt  }
0x59: {  	_ =	shalt  }
0x5a: {  	_ =	shalt  }
0x5b: {  	_ =	shalt  }
0x5c: {  	_ =	shalt  }
0x5d: {  	_ =	shalt  }
0x5e: {  	_ =	shalt  }
0x5f: {  	_ =	shalt  }
0x60: {  	_ =	shalt  }
0x61: {  	_ =	shalt  }
0x62: {  	_ =	shalt  }
0x63: {  	_ =	shalt  }
0x64: {  	_ =	shalt  }
0x65: {  	_ =	shalt  }
0x66: {  	_ =	shalt  }
0x67: {  	_ =	shalt  }
0x68: {  	_ =	shalt  }
0x69: {  	_ =	shalt  }
0x6a: {  	_ =	shalt  }
0x6b: {  	_ =	shalt  }
0x6c: {  	_ =	shalt  }
0x6d: {  	_ =	shalt  }
0x6e: {  	_ =	shalt  }
0x6f: {  	_ =	shalt  }
0x70: {  	_ =	shalt  }
0x71: {  	_ =	shalt  }
0x72: {  	_ =	shalt  }
0x73: {  	_ =	shalt  }
0x74: {  	_ =	shalt  }
0x75: {  	_ =	shalt  }
0x76: {  	_ =	shalt  }
0x77: {  	_ =	shalt  }
0x78: {  	_ =	shalt  }
0x79: {  	_ =	shalt  }
0x7a: {  	_ =	shalt  }
0x7b: {  	_ =	shalt  }
0x7c: {  	_ =	shalt  }
0x7d: {  	_ =	shalt  }
0x7e: {  	_ =	shalt  }
0x7f: {  	_ =	shalt  }
0x80: {  	_ =	shalt  }
0x81: {  	_ =	shalt  }
0x82: {  	_ =	shalt  }
0x83: {  	_ =	shalt  }
0x84: {  	_ =	shalt  }
0x85: {  	_ =	shalt  }
0x86: {  	_ =	shalt  }
0x87: {  	_ =	shalt  }
.Lfunc_end0:
.L_simem_size_0:
called_computation_lowered:
.L_overlay_start_0:
0x88: {  	s2 =	sld [smem:$0x3FD9]  }
0x89: {  	s3 =	sld [smem:$0x3FFE];
	_ =	sdelay $0x1  }
0x8a: {  	s1 =	srdreg.scid  }
0x8b: {  	s0 =	sand.u32 $0x1, s1  }
0x8c: {  	s17 =	sshll.u32 s0, $0xA;
	s2 =	sadd.s32 s3, s2  }
0x8d: {  	s2 =	sadd.s32 s2, s17  }
0x8e: {  	[smem:$0x3FC6] =	sst s2  }
0x8f: {  	_ = 	snop  }
0x90: {  	s2 =	sld [smem:$0x3FC9]  }
0x91: {  	s18 =	sld [smem:$0x3FD0];
	(tm) =	ssettm $0x1  }
0x92: {  	s4 =	sld [smem:$0x3FFB];
	_ =	sdelay $0x3  }
0x93: {  	_ =	strace s4  }
0x94: {  	s4 =	sld [smem:$0x3FFC];
	_ =	sdelay $0x3  }
0x95: {  	_ =	strace s4  }
0x96: {  	s4 =	sld [smem:$0x3FFD];
	_ =	sdelay $0x3  }
0x97: {  	_ =	strace s4  }
0x98: {  	_ =	strace $0x8FFFFFFF  }
0x99: {  	s19 =	sld [smem:$0x3FDB];
	_ =	sdelay $0x1  }
0x9a: {  	s5 =	simm.s32 $_scs_section_size  }
0x9b: {  	s6 =	simm.s32 $_size__tile_overlayer_lowered;
	s7 =	simm.s32 $_tile_overlayer_lowered  }
0x9c: {  	s22 =	simm.s32 $0x1BFF;
	s21 =	sshll.u32 s7, $0x1;
	s4 =	sadd.s32 s5, s19  }
0x9d: {  	s8 =	simm.s32 $0x0;
	s20 =	sshll.u32 s6, $0x1;
	s6 =	sadd.s32 s21, s4  }
0x9e: {  	[timem:s8], [sflag:s22] =	dma.local [hbm:s6], s20  }
0x9f: {  	_ =	swait.ge [sflag:s22], s20  }
0xa0: {  	s5 =	ssub.s32 $0x0, s20;
	[sflag:s22] =	ssyncset.done $0x0  }
0xa1: {  	[sflag:s22] =	ssyncadd.s32 s5;
	_ =	sdelay $0x1  }
0xa2: {  	s23 =	simm.s32 $0x1B8B  }
0xa3: {  	_ =	swait.ge [sflag:s23], $0x1  }
0xa4: {  	[sflag:s23] =	ssyncset.done $0x0  }
0xa5: {  	s25 =	simm.s32 $0x1B8E;
	s24 =	sld [smem:$0x3FFE];
	[sflag:s23] =	ssyncadd.s32 $0xFFFFFFFF  }
0xa6: {  	s26 =	simm.s32 $execute0_lowered;
	[smem:$0x3FD2] =	sst s25  }
0xa7: {  	s6 =	sshll.u32 s26, $0x1;
	_ =	strace $0x80000046;
	[dreg:$0x1] =	wrdreg $0xFFFFFFFF  }
0xa8: {  	s28 =	simm.s32 $_size_execute0_lowered;
	s4 =	sadd.s32 s4, s6;
	[dreg:$0x0] =	wrdreg $0x0  }
0xa9: {  	s6 =	sshll.u32 s28, $0x1;
	[dreg:$0x2] =	wrdreg s4  }
0xaa: {  	[dreg:$0x3] =	wrdreg s6  }
0xab: {  	[dreg:$0x4] =	wrdreg $0xC0  }
0xac: {  	_ =	task [dreg:s8], $0x5FFFF  }
0xad: {  	[dreg:$0x1] =	wrdreg $0xFFFFFFFF  }
0xae: {  	[dreg:$0x0] =	wrdreg $0x60  }
0xaf: {  	[dreg:$0x2] =	wrdreg s2  }
0xb0: {  	[dreg:$0x3] =	wrdreg s18  }
0xb1: {  	[dreg:$0x4] =	wrdreg s24  }
0xb2: {  	[dreg:$0x5] =	wrdreg $0x9  }
0xb3: {  	_ =	task.clear_ibuf [dreg:s8], $0x6FFFF;
	_ =	strace $0x90000046  }
0xb4: {  	s29 =	simm.s32 $0x9;
	_ =	strace $0x80000048  }
0xb5: {  	_ =	swait.ge [sflag:s29], $0x1  }
0xb6: {  	[sflag:s29] =	ssyncadd.s32 $0xFFFFFFFF  }
0xb7: {  	_ =	strace $0x90000048  }
0xb8: {  	_ =	sfence  }
0xb9: {  	s30 =	sld [smem:$0x0];
	_ =	sdelay $0x2  }
0xba: {  	s31 =	sshll.u32 s1, $0xD;
	s1 =	sshrl.u32 s1, $0x2  }
0xbb: {  	s3 =	sand.u32 $0x4000, s31;
	s1 =	sadd.s32 s1, s30  }
0xbc: {  	s0 =	sor.u32 s3, s0;
	s1 =	sshll.u32 s1, $0x11  }
0xbd: {  	s0 =	sor.u32 s1, s0  }
0xbe: {  	s0 =	sadd.s32 $0x8F2B, s0  }
0xbf: {  	[sflag:s0] =	ssyncadd.remote.s32 $0x1  }
0xc0: {  	_ =	sfence.sel $0xFFFF  }
0xc1: {  	[dreg:$0x0] =	wrdreg $0xFFFFFFFF;
	(pc) =	sbr.abs _section_cstart, $3  }
0xc2: {  	[dreg:$0x1] =	wrdreg $0xFFFFFFFF  }
0xc3: {  	_ =	task.clear_ibuf [dreg:s8], $0x2FFFF;
	_ =	strace $0x9FFFFFFF  }
0xc4: {  	(tm) =	ssettm $0x7FFFFFFF  }
0xc5: {  	_ =	shalt  }
tec
execute0_lowered:
.L_overlay_start_1:
0x0: {  	(tag) =	ssettag $0x1  }
0x1: {  	v0 =	vimm.s32 $0x3B2A1908;
	v1 =	vimm.s32 $0x7F6E5D4C;
	v2 =	vimm.s32 $0x33221100  }
0x2: {  	v3 =	vimm.s32 $0x77665544;
	vm3 =	vcmask $0x1F10;
	v41 =	vimm.s32 $0x43322110  }
0x3: {  	v5 =	vimm.s32 $0x7766554;
	v7 =	vimm.s32 $0x5B4A3928;
	v8 =	vimm.s32 $0x1F0E7D6C  }
0x4: {  	v9 =	vimm.s32 $0x63524130;
	v12 =	vimm.s32 $0x3F2E1D0C;
	v15 =	vimm.s32 $0x1B0A7968  }
0x5: {  	v17 =	vimm.s32 $0x13027160;
	v18 =	vimm.s32 $0x57463524;
	vm7 =	vcmask $0x300  }
0x6: {  	vm6 =	vcmask $0x704;
	vm5 =	vcmask $0xB08;
	vm4 =	vcmask $0xF0C  }
0x7: {  	vm0 =	vcmask $0x1310;
	v29 =	vimm.s32 $0x76543210;
	vm1 =	vcmask $0x1F14  }
0x8: {  	vm14 =	vcmask $0x1304;
	v23 =	vimm.s32 $0x66C4A28;
	vm2 =	vcmask $0x1708  }
0x9: {  	vm15 =	vcmask $0x1B0C;
	v30 =	vimm.s32 $0xFEDCBA98;
	v25 =	vimm.s32 $0xCEAC8AF0  }
0xa: {  	v27 =	vimm.s32 $0xAE8CF2D0;
	v28 =	vimm.s32 $0x15E;
	vm8 =	vcmask $0x2F20  }
0xb: {  	vm9 =	vcmask $0x2314;
	vm10 =	vcmask $0x2718;
	vm11 =	vcmask $0x2B1C  }
0xc: {  	v31 =	vimm.s32 $0x100;
	v32 =	vimm.s32 $0xE4C2A0;
	vm12 =	vcmask $0x2724  }
0xd: {  	v33 =	vimm.s32 $0xE6C4A280;
	vm13 =	vcmask $0xB00;
	v34 =	vimm.s32 $0xD6B492F8  }
0xe: {  	v35 =	vimm.s32 $0xC6A48260;
	v36 =	vimm.s32 $0x56341278;
	v46 =	vimm.s32 $0x86644220  }
0xf: {  	v47 =	vimm.s32 $0xECCAA8;
	v52 =	vimm.s32 $0x10FEDCBA;
	v53 =	vimm.s32 $0x98765432  }
0x10: {  	v57 =	vimm.s32 $0x6543210F;
	v58 =	vimm.s32 $0xEDCBA987;
	v0 =	vunpack.c.0.s8.s32 v0  }
0x11: {  	v1 =	vunpack.c.0.s8.s32 v1;
	v4 =	vunpack.c.0.s8.s32 v2;
	v3 =	vunpack.c.0.s8.s32 v3  }
0x12: {  	v6 =	vunpack.c.0.s8.s32 v5;
	v11 =	vunpack.c.0.s8.s32 v9;
	v9 =	vimm.s32 $0x7B6A5948  }
0x13: {  	v12 =	vunpack.c.0.s8.s32 v12;
	v15 =	vunpack.c.0.s8.s32 v15;
	v17 =	vunpack.c.0.s8.s32 v17  }
0x14: {  	v18 =	vunpack.c.0.s8.s32 v18;
	v23 =	vunpack.c.0.s8.s32 v23;
	v26 =	vunpack.c.0.s8.s32 v25  }
0x15: {  	v27 =	vunpack.c.0.s8.s32 v27;
	v31 =	vsel vm6, $0x122, v31;
	v32 =	vunpack.c.0.s8.s32 v32  }
0x16: {  	v33 =	vunpack.c.0.s8.s32 v33;
	v34 =	vunpack.c.0.s8.s32 v34;
	v36 =	vunpack.c.0.s8.s32 v36  }
0x17: {  	v35 =	vunpack.c.0.s8.s32 v35;
	v5 =	vunpack.c.l.s4.s8 v53;
	v14 =	vunpack.c.0.s8.s32 v9  }
0x18: {  	v31 =	vsel vm5, $0x144, v31;
	v2 =	vsel vm3, v1, v0;
	v3 =	vsel vm3, v3, v4  }
0x19: {  	v0 =	vimm.s32 $0x4B3A2918;
	v1 =	vimm.s32 $0xF7E6D5C;
	v4 =	vunpack.c.0.s8.s32 v41  }
0x1a: {  	v20 =	vsel vm3, v18, v17;
	v17 =	vimm.s32 $0x26046A48;
	v18 =	vimm.s32 $0x19E  }
0x1b: {  	v32 =	vand.u32 $0xFF, v32;
	v31 =	vsel vm4, $0x166, v31;
	v33 =	vand.u32 $0xFF, v33  }
0x1c: {  	v34 =	vand.u32 $0xFF, v34;
	v35 =	vand.u32 $0xFF, v35;
	v5 =	vunpack.c.0.s8.s32 v5  }
0x1d: {  	v0 =	vunpack.c.0.s8.s32 v0;
	v1 =	vunpack.c.0.s8.s32 v1;
	v17 =	vunpack.c.0.s8.s32 v17  }
0x1e: {  	v18 =	vsel vm7, $0x1A0, v18;
	v32 =	vnsel vm13, $0x9E, v32;
	v31 =	vsel vm0, $0x188, v31  }
0x1f: {  	v42 =	vsel vm3, v1, v0;
	v0 =	vunpack.c.0.s8.s32 v7;
	v1 =	vunpack.c.0.s8.s32 v8  }
0x20: {  	v33 =	vsel vm0, $0x108, v33;
	v35 =	vsel vm0, $0xE8, v35;
	v7 =	vimm.s32 $0x53423120  }
0x21: {  	v8 =	vimm.s32 $0x17067564;
	v43 =	vsel vm3, v1, v0;
	v0 =	vunpack.c.0.s8.s32 v7  }
0x22: {  	v1 =	vunpack.c.0.s8.s32 v8;
	v7 =	vimm.s32 $0x6B5A4938;
	v8 =	vimm.s32 $0x2F1E0D7C  }
0x23: {  	v7 =	vunpack.c.0.s8.s32 v7;
	v10 =	vunpack.c.0.s8.s32 v8;
	v8 =	vimm.s32 $0x27160574  }
0x24: {  	vm13 =	vcmask $0x3330;
	v13 =	vunpack.c.0.s8.s32 v8;
	v8 =	vsel vm3, v1, v0  }
0x25: {  	v0 =	vimm.s32 $0x73625140;
	v1 =	vimm.s32 $0x37261504;
	v9 =	vsel vm3, v10, v7  }
0x26: {  	v7 =	vsel vm3, v12, v14;
	v0 =	vunpack.c.0.s8.s32 v0;
	v12 =	vimm.s32 $0x4F3E2D1C  }
0x27: {  	v1 =	vunpack.c.0.s8.s32 v1;
	v10 =	vsel vm3, v13, v11;
	v11 =	vimm.s32 $0xB7A6958  }
0x28: {  	v14 =	vimm.s32 $0x47362514;
	v13 =	vunpack.c.0.s8.s32 v11;
	v11 =	vimm.s32 $0x3726150  }
0x29: {  	v12 =	vunpack.c.0.s8.s32 v12;
	v16 =	vunpack.c.0.s8.s32 v11;
	v11 =	vimm.s32 $0x5F4E3D2C  }
0x2a: {  	v14 =	vunpack.c.0.s8.s32 v14;
	v19 =	vunpack.c.0.s8.s32 v11;
	v11 =	vsel vm3, v1, v0  }
0x2b: {  	v12 =	vsel vm3, v12, v13;
	v0 =	vimm.s32 $0x2B1A0978;
	v1 =	vimm.s32 $0x6F5E4D3C  }
0x2c: {  	v13 =	vsel vm3, v14, v16;
	v0 =	vunpack.c.0.s8.s32 v0;
	v1 =	vunpack.c.0.s8.s32 v1  }
0x2d: {  	v14 =	vimm.s32 $0x23120170;
	v16 =	vimm.s32 $0x3380;
	v19 =	vsel vm3, v19, v15  }
0x2e: {  	v15 =	vimm.s32 $0x67564534;
	v21 =	vsel vm3, v1, v0;
	v0 =	vsel vm7, $0x0, v16  }
0x2f: {  	v14 =	vunpack.c.0.s8.s32 v14;
	v15 =	vunpack.c.0.s8.s32 v15;
	v0 =	vsel vm6, $0x80, v0  }
0x30: {  	v6 =	vsel vm3, v6, v4;
	v1 =	vimm.s32 $0x170;
	v0 =	vsel vm5, $0x100, v0  }
0x31: {  	v1 =	vsel vm6, $0x192, v1;
	v22 =	vsel vm3, v15, v14;
	v0 =	vsel vm4, $0x180, v0  }
0x32: {  	v14 =	vsel vm0, $0x200, v0;
	v0 =	vsel vm5, $0x1B4, v1;
	v1 =	vimm.s32 $0x5E3C1A00  }
0x33: {  	v32 =	vsel vm4, $0x106, v32;
	v0 =	vsel vm4, $0x1D6, v0;
	v1 =	vunpack.c.0.s8.s32 v1  }
0x34: {  	v4 =	vunpack.c.l.s4.s8 v52;
	v17 =	vand.u32 $0xFF, v17;
	v0 =	vsel vm0, $0x1F8, v0  }
0x35: {  	v32 =	vsel vm0, $0x128, v32;
	v24 =	vsel vm1, v1, v0;
	v1 =	vimm.s32 $0x46240268  }
0x36: {  	v4 =	vunpack.c.0.s8.s32 v4;
	v16 =	vimm.s32 $0x1BE;
	v1 =	vunpack.c.0.s8.s32 v1  }
0x37: {  	v16 =	vsel vm7, $0x1C0, v16;
	v15 =	vunpack.c.0.s8.s32 v29;
	v0 =	vimm.s32 $0x1DE  }
0x38: {  	v16 =	vsel vm6, $0x1E2, v16;
	v0 =	vsel vm7, $0x1E0, v0;
	v1 =	vand.u32 $0xFF, v1  }
0x39: {  	v15 =	vand.u32 $0xFF, v15;
	vm1 =	vcmask $0x1B18;
	v0 =	vsel vm14, v1, v0  }
0x3a: {  	v1 =	vsel vm2, v17, v16;
	v16 =	vsel vm6, $0x1C2, v18;
	v17 =	vand.u32 $0xFF, v23  }
0x3b: {  	vm2 =	vcmask $0x1714;
	v23 =	vimm.s32 $0x7E5C3A18;
	vm14 =	vcmask $0x2B28  }
0x3c: {  	v16 =	vsel vm5, $0x1E4, v16;
	v23 =	vunpack.c.0.s8.s32 v23;
	v14 =	vsel vm2, $0x280, v14  }
0x3d: {  	v31 =	vsel vm2, $0x1AA, v31;
	v33 =	vsel vm2, $0x12A, v33;
	v35 =	vsel vm2, $0x10A, v35  }
0x3e: {  	v18 =	vsel vm15, v17, v16;
	v16 =	vimm.s32 $0x190;
	v17 =	vunpack.c.0.s8.s32 v30  }
0x3f: {  	vm15 =	vcmask $0x3324;
	v14 =	vsel vm1, $0x300, v14;
	v31 =	vsel vm1, $0x1CC, v31  }
0x40: {  	v33 =	vsel vm1, $0x14C, v33;
	v30 =	vunpack.c.l.s4.s8 v30;
	v16 =	vsel vm6, $0x1B2, v16  }
0x41: {  	v35 =	vsel vm1, $0x12C, v35;
	v16 =	vsel vm5, $0x1D4, v16;
	v17 =	vand.u32 $0xFF, v17  }
0x42: {  	v30 =	vunpack.c.0.s8.s32 v30;
	v16 =	vsel vm4, $0x1F6, v16;
	v25 =	vsel vm3, v17, v15  }
0x43: {  	v15 =	vimm.s32 $0x17E;
	v17 =	vimm.s32 $0x6E4C2A08;
	v23 =	vsel vm3, v23, v16  }
0x44: {  	v16 =	vand.u32 $0xFF, v26;
	v15 =	vsel vm7, $0x180, v15;
	v17 =	vunpack.c.0.s8.s32 v17  }
0x45: {  	v26 =	vimm.s32 $0xF6D4B290;
	v41 =	vand.u32 $0xF, v30;
	v15 =	vsel vm6, $0x1A2, v15  }
0x46: {  	v26 =	vunpack.c.0.s8.s32 v26;
	v16 =	vsel vm9, v16, v0;
	v15 =	vsel vm5, $0x1C4, v15  }
0x47: {  	v17 =	vand.u32 $0xFF, v17;
	v16 =	vsel vm12, $0x112, v16;
	v15 =	vsel vm4, $0x1E6, v15  }
0x48: {  	v16 =	vsel vm14, $0x134, v16;
	v15 =	vsel vm3, v17, v15;
	v17 =	vand.u32 $0xFF, v26  }
0x49: {  	v26 =	vsel vm7, $0x160, v28;
	v28 =	vimm.s32 $0x4E2C0A70;
	vm3 =	vcmask $0x1F1C  }
0x4a: {  	v26 =	vsel vm6, $0x182, v26;
	v15 =	vsel vm8, v17, v15;
	vm8 =	vcmask $0x3728  }
0x4b: {  	v14 =	vsel vm3, $0x380, v14;
	v31 =	vsel vm3, $0x1EE, v31;
	v48 =	vsel vm3, $0x16E, v33  }
0x4c: {  	v35 =	vsel vm3, $0x14E, v35;
	v17 =	vsel vm5, $0x1A4, v26;
	v26 =	vunpack.c.0.s8.s32 v28  }
0x4d: {  	v28 =	vimm.s32 $0x2E0C7250;
	v25 =	vcombine.low v31, v25;
	v23 =	vcombine.low v48, v23  }
0x4e: {  	v31 =	vimm.s32 $0x43210FED;
	v17 =	vsel vm4, $0x1C6, v17;
	v28 =	vunpack.c.0.s8.s32 v28  }
0x4f: {  	v31 =	vunpack.c.l.s4.s8 v31;
	v0 =	vsel vm0, $0x1E8, v17;
	v17 =	vand.u32 $0xFF, v26  }
0x50: {  	v26 =	vand.u32 $0xFF, v27;
	v27 =	vimm.s32 $0x8EF4D2B0;
	v0 =	vsel vm9, v17, v0  }
0x51: {  	v17 =	vsel vm10, v26, v1;
	v1 =	vimm.s32 $0x13E;
	v26 =	vimm.s32 $0x11E  }
0x52: {  	v27 =	vunpack.c.0.s8.s32 v27;
	v28 =	vand.u32 $0xFF, v28;
	vm9 =	vcmask $0x3B2C  }
0x53: {  	v56 =	vunpack.c.0.s8.s32 v31;
	v31 =	vimm.s32 $0x543210FE;
	v1 =	vsel vm7, $0x140, v1  }
0x54: {  	v26 =	vsel vm7, $0x120, v26;
	v34 =	vsel vm15, v34, v0;
	v17 =	vsel vm14, $0x114, v17  }
0x55: {  	v31 =	vunpack.c.l.s4.s8 v31;
	v1 =	vsel vm6, $0x162, v1;
	v26 =	vsel vm6, $0x142, v26  }
0x56: {  	v27 =	vand.u32 $0xFF, v27;
	v1 =	vsel vm5, $0x184, v1;
	v26 =	vsel vm5, $0x164, v26  }
0x57: {  	v18 =	vsel vm11, v27, v18;
	v27 =	vimm.s32 $0xDE;
	v1 =	vsel vm4, $0x1A6, v1  }
0x58: {  	v38 =	vunpack.c.0.s8.s32 v31;
	v27 =	vsel vm7, $0xE0, v27;
	v1 =	vsel vm0, $0x1C8, v1  }
0x59: {  	v26 =	vsel vm4, $0x186, v26;
	v27 =	vsel vm6, $0x102, v27;
	v1 =	vsel vm2, $0x1EA, v1  }
0x5a: {  	v27 =	vsel vm5, $0x124, v27;
	v1 =	vsel vm10, v28, v1;
	v28 =	vimm.s32 $0xBE  }
0x5b: {  	v26 =	vsel vm0, $0x1A8, v26;
	v27 =	vsel vm4, $0x146, v27;
	v28 =	vsel vm7, $0xC0, v28  }
0x5c: {  	v26 =	vsel vm2, $0x1CA, v26;
	v27 =	vsel vm0, $0x168, v27;
	v28 =	vsel vm6, $0xE2, v28  }
0x5d: {  	v26 =	vsel vm1, $0x1EC, v26;
	v27 =	vsel vm2, $0x18A, v27;
	v28 =	vsel vm5, $0x104, v28  }
0x5e: {  	vm10 =	vcmask $0xF00;
	v27 =	vsel vm1, $0x1AC, v27;
	v28 =	vsel vm4, $0x126, v28  }
0x5f: {  	vm7 =	vcmask $0x2320;
	v27 =	vsel vm3, $0x1CE, v27;
	v28 =	vsel vm0, $0x148, v28  }
0x60: {  	v26 =	vsel vm11, $0x0, v26;
	v0 =	vsel vm7, $0x1F0, v27;
	v27 =	vsel vm2, $0x16A, v28  }
0x61: {  	v44 =	vsel vm8, $0x0, v1;
	v28 =	vand.u32 $0xFF, v36;
	v27 =	vsel vm1, $0x18C, v27  }
0x62: {  	v28 =	vsel vm15, v28, v0;
	v0 =	vsel vm3, $0x1AE, v27;
	v27 =	vsel vm2, $0x14A, v32  }
0x63: {  	vm11 =	vcmask $0x1B10;
	v0 =	vsel vm7, $0x1D0, v0;
	v27 =	vsel vm1, $0x16C, v27  }
0x64: {  	v14 =	vsel vm7, $0x3000, v14;
	v0 =	vsel vm12, $0x1F2, v0;
	v1 =	vsel vm3, $0x18E, v27  }
0x65: {  	v14 =	vsel vm12, $0x3080, v14;
	v27 =	vsel vm8, $0x0, v0;
	v0 =	vsel vm7, $0x1B0, v1  }
0x66: {  	v36 =	vunpack.c.0.s8.s32 v46;
	v1 =	vimm.s32 $0xA6846240;
	v45 =	vsel vm12, $0x1D2, v0  }
0x67: {  	v14 =	vsel vm14, $0x3100, v14;
	v37 =	vunpack.c.0.s8.s32 v1;
	v1 =	vsel vm14, $0x1F4, v45  }
0x68: {  	v36 =	vand.u32 $0xFF, v36;
	v0 =	vsel vm9, $0x0, v26;
	v60 =	vsel vm9, $0x0, v1  }
0x69: {  	v26 =	vand.u32 $0xFF, v37;
	v37 =	vunpack.c.0.s8.s32 v47;
	v1 =	vcombine.low v3, v2  }
0x6a: {  	vm15 =	vcmask $0x3B38;
	v36 =	vnsel vm10, $0x1E, v36;
	v26 =	vnsel vm10, $0x3E, v26  }
0x6b: {  	v26 =	vsel vm0, $0xC8, v26;
	v37 =	vand.u32 $0xFF, v37;
	[tilespmem:$0x1FE50] =	vst v1;
	v1 =	vcombine.low v6, v42  }
0x6c: {  	v26 =	vsel vm2, $0xEA, v26;
	v36 =	vsel vm11, v37, v36;
	v37 =	vunpack.c.l.s4.s8 v58  }
0x6d: {  	v26 =	vsel vm1, $0x10C, v26;
	v36 =	vsel vm3, $0x10E, v36;
	[tilespmem:$0x1FE60] =	vst v1;
	v1 =	vcombine.low v8, v43  }
0x6e: {  	v26 =	vsel vm3, $0x12E, v26;
	v36 =	vsel vm7, $0x130, v36;
	v37 =	vunpack.c.0.s8.s32 v37  }
0x6f: {  	v26 =	vsel vm7, $0x150, v26;
	v36 =	vsel vm12, $0x152, v36;
	[tilespmem:$0x1FE70] =	vst v1;
	v1 =	vcombine.low v10, v9  }
0x70: {  	v26 =	vsel vm12, $0x172, v26;
	vm12 =	vcmask $0x2F2C;
	v36 =	vsel vm14, $0x174, v36  }
0x71: {  	v26 =	vsel vm14, $0x194, v26;
	v2 =	vsel vm12, $0x3180, v14;
	v3 =	vsel vm12, $0x156, v16  }
0x72: {  	v14 =	vsel vm12, $0x136, v17;
	v16 =	vsel vm12, $0x116, v18;
	v18 =	vsel vm12, $0x196, v36  }
0x73: {  	vm14 =	vcmask $0x3734;
	[tilespmem:$0x1FE80] =	vst v1;
	v1 =	vcombine.low v11, v7;
	v7 =	vimm.s32 $0xA9876543  }
0x74: {  	v17 =	vsel vm12, $0x1B6, v26;
	v3 =	vsel vm13, $0x178, v3;
	v49 =	vsel vm13, $0x158, v14  }
0x75: {  	v6 =	vsel vm13, $0x138, v16;
	v14 =	vsel vm13, $0x118, v15;
	v16 =	vsel vm13, $0x1B8, v18  }
0x76: {  	v7 =	vunpack.c.l.s4.s8 v7;
	v15 =	vsel vm13, $0x1D8, v17;
	v3 =	vsel vm14, $0x19A, v3  }
0x77: {  	v51 =	vsel vm14, $0x15A, v6;
	v6 =	vsel vm14, $0x13A, v14;
	v18 =	vsel vm14, $0x1FA, v15  }
0x78: {  	v17 =	vsel vm14, $0x9A, v28;
	v26 =	vsel vm14, $0x1DA, v16;
	v33 =	vsel vm15, $0x1BC, v3  }
0x79: {  	v16 =	vsel vm15, $0x15C, v6;
	v3 =	vsel vm15, $0xBC, v17;
	v6 =	vimm.s32 $0x210FEDCB  }
0x7a: {  	v54 =	vsel vm15, $0x1C, v18;
	v6 =	vunpack.c.l.s4.s8 v6;
	v18 =	vmovc v3;
	v3 =	vcombine.low v20, v19  }
0x7b: {  	s0 =	rddreg [dreg:$0x0];
	v36 =	vunpack.c.l.s4.s8 v57;
	v2 =	vsel vm13, $0x3200, v2;
	[tilespmem:$0x1FE90] =	vst v1;
	v1 =	vcombine.low v13, v12  }
0x7c: {  	s1 =	rddreg [dreg:$0x1];
	v7 =	vunpack.c.0.s8.s32 v7;
	v6 =	vunpack.c.0.s8.s32 v6;
	[tilespmem:$0x1FEB0] =	vst v3;
	v3 =	vcombine.low v22, v21  }
0x7d: {  	s8 =	rddreg [dreg:$0x2];
	s4 =	simm.s32 $0x0;
	v2 =	vsel vm14, $0x3280, v2;
	v36 =	vunpack.c.0.s8.s32 v36;
	[tilespmem:$0x1FEA0] =	vst v1;
	v22 =	vlaneseq.u32  }
0x7e: {  	s3 =	srdreg.scid;
	[smem:$0x7FF] =	sst s4;
	v9 =	vsel vm15, $0x3300, v2;
	v28 =	vcombine.low v7, v6;
	v11 =	vmul.u32 $0x22, v22;
	[tilespmem:$0x1FEC0] =	vst v3  }
0x7f: {  	s6 =	sand.u32 $0x1, s3;
	s3 =	rddreg [dreg:$0x3];
	v31 =	vunpack.c.l.s4.s8 v29;
	v59 =	vcombine.low v6, v7;
	v7 =	vcombine.low v36, v37;
	_ =	strace $0x80000047;
	[tilespmem:$0x1FED0] =	vst v9  }
0x80: {  	v44 =	vsel vm15, $0x11C, v44;
	v62 =	vsel vm15, $0x9C, v27;
	v27 =	vimm.s32 $0xBA987654;
	[tilespmem:$0x1FEE0] =	vst v11  }
0x81: {  	v2 =	vimm.s32 $0xFEDCBA9;
	v3 =	vimm.s32 $0x87654321;
	v45 =	vand.u32 $0xF, v7;
	[tilespmem:$0x1FF00] =	vst v44  }
0x82: {  	v2 =	vunpack.c.l.s4.s8 v2;
	v21 =	vcombine.low v35, v24;
	v3 =	vunpack.c.l.s4.s8 v3;
	[tilespmem:$0x1FF10] =	vst v45  }
0x83: {  	v27 =	vunpack.c.l.s4.s8 v27;
	v50 =	vsel vm14, $0x17A, v49;
	v14 =	vsel vm14, $0x11A, v34;
	[tilespmem:$0x1FF50] =	vst v54  }
0x84: {  	v1 =	vsel vm15, $0x19C, v50;
	v2 =	vunpack.c.0.s8.s32 v2;
	[tilespmem:$0x1FF70] =	vst v21;
	v3 =	vunpack.c.0.s8.s32 v3  }
0x85: {  	v13 =	vmovc v0;
	v8 =	vsel vm15, $0x17C, v51;
	v10 =	vsel vm15, $0x13C, v14;
	v20 =	vimm.s32 $0x3210FEDC;
	[tilespmem:$0x1FF80] =	vst v1  }
0x86: {  	v14 =	vimm.s32 $0xDCBA9876;
	v20 =	vunpack.c.l.s4.s8 v20;
	[tilespmem:$0x1FF90] =	vst v13;
	v19 =	vcombine.low v3, v2  }
0x87: {  	v31 =	vunpack.c.0.s8.s32 v31;
	v55 =	vunpack.c.0.s8.s32 v27;
	v14 =	vunpack.c.l.s4.s8 v14;
	[tilespmem:$0x1FFA0] =	vst v8  }
0x88: {  	v20 =	vunpack.c.0.s8.s32 v20;
	[tilespmem:$0x1FFB0] =	vst v33;
	v12 =	vand.u32 $0xF, v19;
	v19 =	vcombine.low v5, v4  }
0x89: {  	v31 =	vcombine.low v41, v31;
	v0 =	vimm.s32 $0xCBA98765;
	v39 =	vunpack.c.0.s8.s32 v14;
	[tilespmem:$0x1FFC0] =	vst v16  }
0x8a: {  	s2 =	stileid.u32;
	v61 =	vcombine.low v20, v55;
	[tilespmem:$0x1FFD0] =	vst v60;
	v27 =	vand.u32 $0xF, v19;
	v19 =	vunpack.c.l.s4.s8 v0  }
0x8b: {  	s11 =	simm.s32 $0x7A1400;
	s12 =	simm.s32 $0x1;
	s13 =	simm.s32 $0xC000;
	v26 =	vsel vm15, $0x1FC, v26;
	v40 =	vcombine.low v37, v36;
	v14 =	vcombine.low v39, v38;
	[tilespmem:$0x1FFE0] =	vst v10  }
0x8c: {  	s14 =	simm.s32 $0x2;
	s15 =	simm.s32 $0x18000;
	s16 =	simm.s32 $0x3;
	[tilespmem:$0x1FFF0] =	vst v26;
	v24 =	vand.u32 $0xF, v61;
	v0 =	vcombine.low v55, v20;
	v19 =	vunpack.c.0.s8.s32 v19  }
.Ltmp0:
0x8d: {  	s17 =	simm.s32 $0x1A000;
	s5 =	sshll.u32 s2, $0x1;
	v28 =	vand.u32 $0xF, v28;
	[tilespmem:$0x1FF40] =	vst v24;
	v2 =	vcombine.low v2, v3;
	v3 =	vcombine.low v4, v5;
	(pc) =	sbr.rel .LBB2_1-.Ltmp0, $4  }
0x8e: {  	s18 =	simm.s32 $0x0;
	s5 =	sor.u32 s6, s5;
	s7 =	ssub.s32 $0x2, s6;
	[tilespmem:$0x1FEF0] =	vst v12;
	v20 =	vand.u32 $0xF, v59;
	v29 =	vand.u32 $0xF, v0;
	v0 =	vcombine.low v19, v56  }
0x8f: {  	s6 =	sadd.s32 $0xA00, s8;
	s9 =	smul.u32 $0x600, s5;
	s10 =	sshrl.u32 s7, $0x1;
	v35 =	vand.u32 $0xF, v2;
	v2 =	vcombine.low v38, v39;
	[tilespmem:$0x1FF20] =	vst v20;
	v6 =	vcombine.low v56, v19  }
0x90: {  	s8 =	sadd.s32 $0x1E8E00, s8;
	p0 =	sne.s32 s5, $0x0;
	s10 =	ssub.s32 s7, s10;
	[tilespmem:$0x1FF60] =	vst v27;
	v30 =	vand.u32 $0xF, v0;
	v0 =	vand.u32 $0xF, v40;
	v40 =	vand.u32 $0xF, v3  }
0x91: {  	s7 =	sadd.s32 s0, s9;
	s9 =	smax.u32 s10, $0x1;
	s10 =	simm.s32 $0x3000;
	v63 =	vand.u32 $0xF, v14;
	v37 =	vand.u32 $0xF, v2;
	v36 =	vand.u32 $0xF, v6;
	v34 =	vmovc v0;
	[tilespmem:$0x1FF30] =	vst v40  }
.LBB2_10:
0x92: {  	_ =	swait.ge [sflag:s14], $0x6000  }
.Ltmp1:
0x93: {  	[sflag:s14] =	ssyncset.done $0x0;
	(pc) =	sbr.rel @!p0 .LBB2_11-.Ltmp1, $4  }
0x94: {  	[sflag:s14] =	ssyncadd.s32 $0xFFFFA000  }
0x95: {  	_ =	swait.ge [sflag:s14], $0x6000  }
0x96: {  	[sflag:s14] =	ssyncset.done $0x0  }
0x97: {  	[sflag:s14] =	ssyncadd.s32 $0xFFFFA000  }
.LBB2_14:
0x98: {  	s18 =	sadd.s32 $0x1, s18  }
0x99: {  	p1 =	sne.s32 s18, s9  }
.Ltmp2:
0x9a: {  	_ = 	snop;
	(pc) =	sbr.rel @!p1 .LBB2_15-.Ltmp2, $1  }
0x9b: {  	_ =	sdelay $0x3  }
.LBB2_1:
.Ltmp3:
0x9c: {  	(pc) =	sbr.rel .LBB2_2-.Ltmp3, $3  }
0x9d: {  	_ =	sdelay $0x1  }
0x9e: {  	[tilespmem:s4], [sflag:$0x1] =	stream.strided.gather [hbm4b:s7+s10], $0x6000, s11, s10, $0x38;
	[tilespmem:$0x1A400] =	vst v63  }
0x9f: {  	p1 =	por $0x0, $0x0;
	s22 =	simm.s32 $0x0  }
.LBB2_3:
0xa0: {  	s19 =	sadd.s32 $0x1, s22  }
.LBB2_9:
0xa1: {  	p2 =	sne.s32 s19, $0x15  }
.Ltmp4:
0xa2: {  	_ = 	snop;
	(pc) =	sbr.rel @!p2 .LBB2_10-.Ltmp4, $2  }
0xa3: {  	_ =	sdelay $0x2  }
0xa4: {  	p1 =	por !p1, !p1;
	s22 =	smov.u32 s19  }
.LBB2_2:
0xa5: {  	s19 =	sshll.u32 s22, $0x5  }
0xa6: {  	s20 =	sor.u32 s5, s19  }
0xa7: {  	p2 =	slt.u32 s20, $0x28B  }
.Ltmp5:
0xa8: {  	_ = 	snop;
	(pc) =	sbr.rel @!p2 .LBB2_3-.Ltmp5, $1  }
0xa9: {  	_ =	sdelay $0x3  }
0xaa: {  	s19 =	sadd.s32 $0x1, s22  }
0xab: {  	s21 =	sshll.u32 s19, $0x5  }
0xac: {  	s21 =	sor.u32 s5, s21  }
0xad: {  	p2 =	sgt.u32 s21, $0x28A  }
0xae: {  	s23 =	sand.u32 @!p2 $0x1, s19  }
0xaf: {  	s24 =	smul.u32 @!p2 $0x600, s21;
	p3 =	seq.s32 @!p2 s23, $0x1  }
0xb0: {  	s26 =	simm.s32 @!p2 $0x3000;
	s23 =	simm.s32 @!p2 $0x6000;
	p3 =	por !p3, p2  }
0xb1: {  	s28 =	simm.s32 @!p2 $0x7A1400;
	s24 =	sadd.s32 @!p2 s0, s24;
	s23 =	simm.s32 @p3 $0x0  }
0xb2: {  	[tilespmem:s23], [sflag:$0x1] =	stream.strided.gather @!p2 [hbm4b:s24+s26], $0x6000, s28, s26, $0x38;
	[tilespmem:$0x1A400] =	vst v63  }
0xb3: {  	_ =	swait.ge [sflag:s12], $0x6000  }
0xb4: {  	v0 =	vld [tilespmem:$0x1FE50];
	_ =	sdelay $0x2  }
0xb5: {  	s25 =	sand.u32 $0x1, s22  }
0xb6: {  	s24 =	sshll.u32 s25, $0x7  }
0xb7: {  	v49 =	vor.u32 s24, v0;
	v0 =	vld [tilespmem:$0x1FE60];
	_ =	sdelay $0x4  }
0xb8: {  	v47 =	vor.u32 s24, v0;
	v0 =	vld [tilespmem:$0x1FE70];
	_ =	sdelay $0x1  }
0xb9: {  	p2 =	slt.u32 s22, $0x2;
	[sflag:s12] =	ssyncset.done $0x0  }
0xba: {  	s23 =	simm.s32 @!p2 $0x2;
	[sflag:s12] =	ssyncadd.s32 $0xFFFFA000  }
0xbb: {  	_ =	swait.ge @!p2 [sflag:s23], $0x6000  }
0xbc: {  	v46 =	vor.u32 s24, v0;
	v0 =	vld [tilespmem:$0x1FE80]  }
0xbd: {  	s21 =	simm.s32 $0x0  }
0xbe: {  	v2 =	vmov s21  }
0xbf: {  	v2 =	vshll.u32 v2, $0x3  }
0xc0: {  	v3 =	vor.u32 s21, v22;
	v2 =	vand.u32 $0x3C00, v2;
	s28 =	simm.s32 $0x10  }
0xc1: {  	s29 =	simm.s32 $0x0;
	v41 =	vadd.s32 v9, v2;
	v2 =	vmov s28;
	v50 =	vor.u32 s24, v0;
	v0 =	vld [tilespmem:$0x1FE90]  }
0xc2: {  	v4 =	vmov s29;
	v3 =	vand.u32 $0x6F, v3;
	v2 =	vshll.u32 v2, $0x3  }
0xc3: {  	v3 =	vor.u32 v3, v41;
	v5 =	vor.u32 s28, v22;
	v2 =	vand.u32 $0x3C00, v2  }
0xc4: {  	v42 =	vshll.u32 v4, $0x1;
	v4 =	vand.u32 $0x7F, v5;
	v19 =	vadd.s32 v9, v2  }
0xc5: {  	s30 =	smul.u32 $0x18000, s25;
	v4 =	vor.u32 v4, v19;
	[sflag:s23] =	ssyncset.done @!p2 $0x0  }
0xc6: {  	v2 =	vor.u32 v11, v42;
	[sflag:s23] =	ssyncadd.s32 @!p2 $0xFFFFA000;
	s23 =	simm.s32 $0x100;
	v48 =	vor.u32 s24, v0;
	v0 =	vld [tilespmem:$0x1FEA0]  }
0xc7: {  	s22 =	sshrl.u32 s30, $0x2;
	v5 =	vor.u32 s21, v12;
	v2 =	vand.u32 $0xFD00, v2;
	v6 =	vmov s23  }
0xc8: {  	v5 =	vand.u32 $0x6F, v5;
	v2 =	vor.u32 v2, v49;
	v3 =	vld.idx.msk [tilespmem:v3+s22+$0x0], $0xffff;
	v51 =	vshll.u32 v6, $0x1  }
0xc9: {  	v56 =	vor.u32 v54, v42;
	v5 =	vor.u32 v5, v41;
	v6 =	vor.u32 v11, v51  }
0xca: {  	v55 =	vor.u32 v21, v42;
	v7 =	vor.u32 s28, v12;
	v4 =	vld.idx.msk [tilespmem:v4+s22+$0x0], $0xffff;
	v6 =	vand.u32 $0x7FFFFF00, v6  }
0xcb: {  	v17 =	vmovc v45;
	v7 =	vand.u32 $0x7F, v7;
	v6 =	vor.u32 v6, v49;
	v45 =	vor.u32 s24, v0;
	v0 =	vld [tilespmem:$0x1FEB0]  }
0xcc: {  	v61 =	vor.u32 s21, v29;
	v22 =	vmovc v20;
	v20 =	vor.u32 v26, v42;
	v7 =	vor.u32 v7, v19  }
0xcd: {  	v52 =	vor.u32 s28, v27;
	[tilespmem:v2+s13+$0x0] =	vst.idx.msk $0xffff, v3;
	v2 =	vand.u32 $0xFD00, v20;
	v3 =	vor.u32 s21, v27  }
0xce: {  	v58 =	vor.u32 s28, v29;
	v5 =	vld.idx.msk [tilespmem:v5+s22+$0x0], $0xffff;
	v2 =	vor.u32 v2, v47;
	v3 =	vand.u32 $0x6F, v3  }
0xcf: {  	v59 =	vor.u32 s28, v30;
	v20 =	vor.u32 v26, v51;
	v3 =	vor.u32 v3, v41  }
0xd0: {  	v52 =	vand.u32 $0x7F, v52;
	v20 =	vand.u32 $0x7FFFFF00, v20;
	v43 =	vor.u32 s24, v0;
	v0 =	vld [tilespmem:$0x1FEC0];
	[tilespmem:v6+s13+$0x0] =	vst.idx.msk $0xffff, v4  }
0xd1: {  	v32 =	vor.u32 s28, v63;
	v52 =	vor.u32 v52, v19;
	v20 =	vor.u32 v20, v47;
	v4 =	vld.idx.msk [tilespmem:v7+s22+$0x0], $0xffff  }
0xd2: {  	v53 =	vor.u32 v54, v51;
	v57 =	vor.u32 v21, v51;
	v54 =	vand.u32 $0x7F, v58  }
0xd3: {  	v38 =	vor.u32 v62, v51;
	[tilespmem:v2+s13+$0x0] =	vst.idx.msk $0xffff, v5;
	v2 =	vand.u32 $0xFD00, v56;
	v5 =	vor.u32 s21, v28  }
0xd4: {  	v58 =	vor.u32 s28, v34;
	v3 =	vld.idx.msk [tilespmem:v3+s22+$0x0], $0xffff;
	v2 =	vor.u32 v2, v46;
	v5 =	vand.u32 $0x6F, v5  }
0xd5: {  	v53 =	vand.u32 $0x7FFFFF00, v53;
	v39 =	vand.u32 $0x7FFFFF00, v38;
	v5 =	vor.u32 v5, v41  }
0xd6: {  	v38 =	vor.u32 v25, v51;
	v6 =	vor.u32 s28, v28;
	v7 =	vor.u32 v53, v46;
	[tilespmem:v20+s13+$0x0] =	vst.idx.msk $0xffff, v4  }
0xd7: {  	v6 =	vand.u32 $0x7F, v6;
	v53 =	vand.u32 $0x7FFFFF00, v57;
	v56 =	vor.u32 v60, v51;
	v52 =	vld.idx.msk [tilespmem:v52+s22+$0x0], $0xffff  }
0xd8: {  	v15 =	vor.u32 v39, v43;
	v39 =	vor.u32 v60, v42;
	v6 =	vor.u32 v6, v19  }
0xd9: {  	v53 =	vor.u32 v53, v50;
	v60 =	vand.u32 $0xFD00, v39;
	[tilespmem:v2+s13+$0x0] =	vst.idx.msk $0xffff, v3;
	v2 =	vand.u32 $0xFD00, v55  }
0xda: {  	v14 =	vmovc v44;
	v39 =	vor.u32 s28, v40;
	v55 =	vand.u32 $0x6F, v61;
	v5 =	vld.idx.msk [tilespmem:v5+s22+$0x0], $0xffff;
	v2 =	vor.u32 v2, v50  }
0xdb: {  	v40 =	vor.u32 v14, v51;
	v20 =	vor.u32 v23, v51;
	v55 =	vor.u32 v55, v41  }
0xdc: {  	v4 =	vor.u32 v54, v19;
	v54 =	vand.u32 $0x7F, v59;
	v20 =	vand.u32 $0x7FFFFF00, v20;
	[tilespmem:v7+s13+$0x0] =	vst.idx.msk $0xffff, v52  }
0xdd: {  	v44 =	vor.u32 s24, v0;
	v54 =	vor.u32 v54, v19;
	v3 =	vor.u32 v20, v48;
	v59 =	vld.idx.msk [tilespmem:v6+s22+$0x0], $0xffff  }
0xde: {  	v20 =	vand.u32 $0x7FFFFF00, v56;
	v56 =	vand.u32 $0x7F, v32;
	v7 =	vor.u32 v23, v42  }
0xdf: {  	v32 =	vor.u32 s21, v30;
	v57 =	vor.u32 v20, v45;
	[tilespmem:v2+s13+$0x0] =	vst.idx.msk $0xffff, v5;
	v5 =	vand.u32 $0xFD00, v7  }
0xe0: {  	v61 =	vor.u32 v56, v19;
	v6 =	vand.u32 $0x6F, v32;
	v5 =	vor.u32 v5, v48;
	v55 =	vld.idx.msk [tilespmem:v55+s22+$0x0], $0xffff  }
0xe1: {  	v56 =	vand.u32 $0x7F, v39;
	v20 =	vor.u32 v16, v51;
	v52 =	vor.u32 v6, v41  }
0xe2: {  	v39 =	vor.u32 s21, v34;
	v20 =	vand.u32 $0x7FFFFF00, v20;
	v2 =	vand.u32 $0x7F, v58;
	[tilespmem:v53+s13+$0x0] =	vst.idx.msk $0xffff, v59  }
0xe3: {  	v0 =	vor.u32 v2, v19;
	v2 =	vor.u32 v18, v51;
	v6 =	vor.u32 s28, v31;
	v58 =	vld.idx.msk [tilespmem:v4+s22+$0x0], $0xffff  }
0xe4: {  	v32 =	vor.u32 s21, v63;
	v2 =	vand.u32 $0x7FFFFF00, v2;
	v7 =	vand.u32 $0x7F, v6  }
0xe5: {  	v6 =	vor.u32 v2, v44;
	v2 =	vand.u32 $0x7FFFFF00, v38;
	v7 =	vor.u32 v7, v19;
	[tilespmem:v5+s13+$0x0] =	vst.idx.msk $0xffff, v55  }
0xe6: {  	v38 =	vor.u32 s28, v35;
	v53 =	vor.u32 v60, v45;
	v4 =	vand.u32 $0x6F, v32;
	v52 =	vld.idx.msk [tilespmem:v52+s22+$0x0], $0xffff  }
0xe7: {  	v26 =	vmovc v62;
	v59 =	vand.u32 $0x7FFFFF00, v40;
	v40 =	vand.u32 $0x6F, v39;
	v55 =	vor.u32 v4, v41  }
0xe8: {  	v60 =	vor.u32 s28, v24;
	v32 =	vor.u32 v62, v42;
	v62 =	vor.u32 v59, v46;
	[tilespmem:v3+s13+$0x0] =	vst.idx.msk $0xffff, v58  }
0xe9: {  	v4 =	vor.u32 v2, v49;
	v2 =	vand.u32 $0x7F, v38;
	v38 =	vand.u32 $0xFD00, v32;
	v54 =	vld.idx.msk [tilespmem:v54+s22+$0x0], $0xffff  }
0xea: {  	v32 =	vor.u32 s28, v22;
	v5 =	vor.u32 v2, v19;
	v2 =	vor.u32 v13, v51  }
0xeb: {  	v39 =	vmovc v34;
	v34 =	vand.u32 $0x7F, v32;
	v32 =	vor.u32 v18, v42;
	v2 =	vand.u32 $0x7FFFFF00, v2;
	[tilespmem:v53+s13+$0x0] =	vst.idx.msk $0xffff, v52  }
0xec: {  	v2 =	vor.u32 v2, v47;
	v3 =	vor.u32 v56, v19;
	v58 =	vor.u32 v38, v43;
	v55 =	vld.idx.msk [tilespmem:v55+s22+$0x0], $0xffff  }
0xed: {  	v38 =	vmovc v63;
	v63 =	vor.u32 v34, v19;
	v56 =	vand.u32 $0x7F, v60;
	v52 =	vor.u32 v40, v41  }
0xee: {  	v34 =	vor.u32 s21, v31;
	v40 =	vor.u32 v10, v51;
	v59 =	vor.u32 v56, v19;
	[tilespmem:v57+s13+$0x0] =	vst.idx.msk $0xffff, v54  }
0xef: {  	v56 =	vor.u32 v20, v48;
	v20 =	vor.u32 s28, v36;
	v53 =	vand.u32 $0x7FFFFF00, v40;
	v57 =	vld.idx.msk [tilespmem:v61+s22+$0x0], $0xffff  }
0xf0: {  	v20 =	vand.u32 $0x7F, v20;
	v60 =	vor.u32 v53, v50;
	v53 =	vand.u32 $0xFD00, v32  }
0xf1: {  	v40 =	vor.u32 v8, v51;
	v32 =	vor.u32 s28, v37;
	v21 =	vor.u32 v53, v44;
	[tilespmem:v58+s13+$0x0] =	vst.idx.msk $0xffff, v55  }
0xf2: {  	v54 =	vand.u32 $0x6F, v34;
	v58 =	vor.u32 v20, v19;
	v20 =	vor.u32 v1, v51;
	v61 =	vld.idx.msk [tilespmem:v52+s22+$0x0], $0xffff  }
0xf3: {  	v14 =	vor.u32 v54, v41;
	v52 =	vand.u32 $0x7FFFFF00, v40;
	v20 =	vand.u32 $0x7FFFFF00, v20  }
0xf4: {  	v55 =	vor.u32 v52, v45;
	v52 =	vor.u32 v20, v43;
	v20 =	vor.u32 s28, v17;
	[tilespmem:v15+s13+$0x0] =	vst.idx.msk $0xffff, v57  }
0xf5: {  	s25 =	simm.s32 $0x1;
	v54 =	vand.u32 $0x7F, v32;
	v51 =	vor.u32 v33, v51;
	v34 =	vand.u32 $0x7F, v20;
	v20 =	vld.idx.msk [tilespmem:v0+s22+$0x0], $0xffff  }
0xf6: {  	s25 =	simm.s32 @!p1 $0x0;
	v33 =	vor.u32 v25, v42;
	v54 =	vor.u32 v54, v19;
	v40 =	vor.u32 s21, v35  }
0xf7: {  	s31 =	sshll.u32 s25, $0x7;
	v53 =	vor.u32 v34, v19;
	v15 =	vand.u32 $0x7FFFFF00, v51;
	v57 =	vand.u32 $0xFD00, v33;
	[tilespmem:v21+s13+$0x0] =	vst.idx.msk $0xffff, v61  }
0xf8: {  	s26 =	simm.s32 $0x30;
	s25 =	simm.s32 $0x0;
	s24 =	sor.u32 $0xC000, s31;
	v61 =	vor.u32 v57, v49;
	v57 =	vand.u32 $0x6F, v40;
	v51 =	vor.u32 v15, v44;
	v19 =	vld.idx.msk [tilespmem:v14+s22+$0x0], $0xffff  }
.LBB2_5:
0xf9: {  	s28 =	sadd.s32 $0xFFFFFFF0, s26;
	v21 =	vmov s26;
	v8 =	vlaneseq.u32;
	v1 =	vor.u32 v57, v41;
	v40 =	vld [tilespmem:$0x1FF90]  }
0xfa: {  	[tilespmem:v6+s13+$0x0] =	vst.idx.msk $0xffff, v20;
	v24 =	vld [tilespmem:$0x1FF30];
	s23 =	sadd.s32 $0x200, s23;
	v0 =	vor.u32 s26, v8;
	v6 =	vmov s28;
	v20 =	vshll.u32 v21, $0x3  }
0xfb: {  	v8 =	vor.u32 s28, v8;
	v32 =	vmov s23;
	v0 =	vand.u32 $0x7F, v0  }
0xfc: {  	v7 =	vld.idx.msk [tilespmem:v7+s22+$0x0], $0xffff;
	v6 =	vshll.u32 v6, $0x3;
	v20 =	vand.u32 $0x3C00, v20;
	v8 =	vand.u32 $0x6F, v8  }
0xfd: {  	v14 =	vld [tilespmem:$0x1FF00];
	v6 =	vand.u32 $0x3C00, v6;
	[tilespmem:v61+s13+$0x0] =	vst.idx.msk $0xffff, v19;
	v61 =	vshll.u32 v32, $0x1;
	v57 =	vadd.s32 v9, v20  }
0xfe: {  	v22 =	vld [tilespmem:$0x1FF20];
	v6 =	vadd.s32 v9, v6;
	v19 =	vor.u32 v40, v42;
	v0 =	vor.u32 v0, v57  }
0xff: {  	v15 =	vld [tilespmem:$0x1FFF0];
	s29 =	sadd.s32 $0xFFFFFF00, s23;
	v8 =	vor.u32 v8, v6;
	v20 =	vor.u32 s21, v24;
	v19 =	vand.u32 $0xFD00, v19  }
0x100: {  	v1 =	vld.idx.msk [tilespmem:v1+s22+$0x0], $0xffff;
	v9 =	vor.u32 v19, v47;
	v19 =	vand.u32 $0x6F, v20;
	v20 =	vmov s29  }
0x101: {  	v17 =	vld [tilespmem:$0x1FF60];
	[tilespmem:v4+s13+$0x0] =	vst.idx.msk $0xffff, v7;
	v10 =	vor.u32 v19, v41;
	v19 =	vshll.u32 v20, $0x1;
	v20 =	vor.u32 v11, v61  }
0x102: {  	v5 =	vld.idx.msk [tilespmem:v5+s22+$0x0], $0xffff;
	v7 =	vor.u32 v11, v19;
	v20 =	vand.u32 $0x7FFFFF00, v20  }
0x103: {  	v21 =	vor.u32 s26, v12;
	v7 =	vand.u32 $0xFD00, v7;
	v0 =	vld.idx.msk [tilespmem:v0+s22+$0x0], $0xffff;
	v20 =	vor.u32 v20, v49  }
0x104: {  	v4 =	vand.u32 $0x7F, v21;
	v8 =	vld.idx.msk [tilespmem:v8+s22+$0x0], $0xffff;
	v7 =	vor.u32 v7, v49  }
0x105: {  	v21 =	vor.u32 s28, v12;
	v4 =	vor.u32 v4, v57  }
0x106: {  	v13 =	vld [tilespmem:$0x1FF50];
	v21 =	vand.u32 $0x6F, v21;
	v11 =	vor.u32 v15, v61;
	[tilespmem:v9+s13+$0x0] =	vst.idx.msk $0xffff, v1;
	v1 =	vor.u32 v14, v42  }
0x107: {  	v9 =	vor.u32 v21, v6;
	v21 =	vor.u32 s21, v22;
	[tilespmem:v2+s13+$0x0] =	vst.idx.msk $0xffff, v5;
	v10 =	vld.idx.msk [tilespmem:v10+s22+$0x0], $0xffff;
	v1 =	vand.u32 $0xFD00, v1  }
0x108: {  	v12 =	vor.u32 s26, v17;
	v21 =	vand.u32 $0x6F, v21;
	v3 =	vld.idx.msk [tilespmem:v3+s22+$0x0], $0xffff;
	v1 =	vor.u32 v1, v46;
	[tilespmem:v20+s13+$0x0] =	vst.idx.msk $0xffff, v0  }
0x109: {  	v2 =	vand.u32 $0x7FFFFF00, v11;
	v21 =	vor.u32 v21, v41;
	[tilespmem:v7+s13+$0x0] =	vst.idx.msk $0xffff, v8;
	v7 =	vor.u32 v15, v19;
	v15 =	vld [tilespmem:$0x1FFE0]  }
0x10a: {  	v5 =	vand.u32 $0x7F, v12;
	v2 =	vor.u32 v2, v47;
	v4 =	vld.idx.msk [tilespmem:v4+s22+$0x0], $0xffff  }
0x10b: {  	v27 =	vld [tilespmem:$0x1FF40];
	v11 =	vor.u32 v13, v61;
	v5 =	vor.u32 v5, v57  }
0x10c: {  	v8 =	vand.u32 $0x7FFFFF00, v11;
	v11 =	vor.u32 s28, v17;
	v17 =	vld [tilespmem:$0x1FF70];
	v7 =	vand.u32 $0xFD00, v7  }
0x10d: {  	v12 =	vor.u32 s26, v28;
	v9 =	vld.idx.msk [tilespmem:v9+s22+$0x0], $0xffff;
	v7 =	vor.u32 v7, v47;
	[tilespmem:v1+s13+$0x0] =	vst.idx.msk $0xffff, v10  }
0x10e: {  	v12 =	vand.u32 $0x7F, v12;
	v11 =	vand.u32 $0x6F, v11;
	[tilespmem:v62+s13+$0x0] =	vst.idx.msk $0xffff, v3;
	v0 =	vld.idx.msk [tilespmem:v21+s22+$0x0], $0xffff  }
0x10f: {  	v10 =	vor.u32 v11, v6;
	v21 =	vld.idx.msk [tilespmem:v63+s22+$0x0], $0xffff;
	v1 =	vor.u32 v15, v42;
	[tilespmem:v2+s13+$0x0] =	vst.idx.msk $0xffff, v4  }
0x110: {  	v20 =	vor.u32 s26, v29;
	v8 =	vor.u32 v8, v46;
	v1 =	vand.u32 $0xFD00, v1;
	v5 =	vld.idx.msk [tilespmem:v5+s22+$0x0], $0xffff  }
0x111: {  	v32 =	vld [tilespmem:$0x1FFC0];
	v3 =	vor.u32 v12, v57;
	v11 =	vor.u32 s21, v27;
	v1 =	vor.u32 v1, v50  }
0x112: {  	v11 =	vand.u32 $0x6F, v11;
	v12 =	vor.u32 v17, v61;
	[tilespmem:v7+s13+$0x0] =	vst.idx.msk $0xffff, v9;
	v7 =	vor.u32 v13, v19  }
0x113: {  	v16 =	vld [tilespmem:$0x1FFD0];
	v11 =	vor.u32 v11, v41;
	v9 =	vand.u32 $0x7FFFFF00, v12;
	v7 =	vand.u32 $0xFD00, v7  }
0x114: {  	v12 =	vand.u32 $0x7F, v20;
	v20 =	vor.u32 s28, v28;
	v10 =	vld.idx.msk [tilespmem:v10+s22+$0x0], $0xffff;
	v7 =	vor.u32 v7, v46;
	[tilespmem:v60+s13+$0x0] =	vst.idx.msk $0xffff, v21  }
0x115: {  	v33 =	vor.u32 s26, v39;
	v20 =	vand.u32 $0x6F, v20;
	v59 =	vld.idx.msk [tilespmem:v59+s22+$0x0], $0xffff;
	[tilespmem:v8+s13+$0x0] =	vst.idx.msk $0xffff, v5  }
0x116: {  	v34 =	vld [tilespmem:$0x1FFA0];
	v4 =	vor.u32 s21, v36;
	[tilespmem:v1+s13+$0x0] =	vst.idx.msk $0xffff, v0;
	v0 =	vor.u32 v32, v42;
	v1 =	vor.u32 v20, v6  }
0x117: {  	v4 =	vand.u32 $0x6F, v4;
	v9 =	vor.u32 v9, v50;
	v3 =	vld.idx.msk [tilespmem:v3+s22+$0x0], $0xffff;
	v0 =	vand.u32 $0xFD00, v0  }
0x118: {  	v2 =	vld.idx.msk [tilespmem:v11+s22+$0x0], $0xffff;
	v11 =	vor.u32 v12, v57;
	v12 =	vor.u32 v23, v61;
	v0 =	vor.u32 v0, v48  }
0x119: {  	v4 =	vor.u32 v4, v41;
	v12 =	vand.u32 $0x7FFFFF00, v12;
	[tilespmem:v7+s13+$0x0] =	vst.idx.msk $0xffff, v10;
	v7 =	vor.u32 v17, v19  }
0x11a: {  	v21 =	vor.u32 v16, v61;
	v10 =	vor.u32 v12, v48;
	v7 =	vand.u32 $0xFD00, v7  }
0x11b: {  	v12 =	vand.u32 $0x7FFFFF00, v21;
	v21 =	vor.u32 s28, v29;
	[tilespmem:v56+s13+$0x0] =	vst.idx.msk $0xffff, v59;
	v7 =	vor.u32 v7, v50;
	v1 =	vld.idx.msk [tilespmem:v1+s22+$0x0], $0xffff  }
0x11c: {  	v62 =	vor.u32 v25, v61;
	v5 =	vor.u32 s21, v37;
	v21 =	vand.u32 $0x6F, v21;
	v58 =	vld.idx.msk [tilespmem:v58+s22+$0x0], $0xffff;
	[tilespmem:v9+s13+$0x0] =	vst.idx.msk $0xffff, v3  }
0x11d: {  	v20 =	vor.u32 s26, v30;
	[tilespmem:v0+s13+$0x0] =	vst.idx.msk $0xffff, v2;
	v0 =	vor.u32 v34, v42;
	v2 =	vor.u32 v21, v6  }
0x11e: {  	v5 =	vand.u32 $0x6F, v5;
	v20 =	vand.u32 $0x7F, v20;
	v9 =	vld.idx.msk [tilespmem:v11+s22+$0x0], $0xffff;
	v0 =	vand.u32 $0xFD00, v0  }
0x11f: {  	v20 =	vor.u32 v20, v57;
	v21 =	vor.u32 v26, v61;
	v4 =	vld.idx.msk [tilespmem:v4+s22+$0x0], $0xffff;
	v0 =	vor.u32 v0, v45  }
0x120: {  	[tilespmem:v7+s13+$0x0] =	vst.idx.msk $0xffff, v1;
	v1 =	vor.u32 v23, v19;
	v7 =	vand.u32 $0x7FFFFF00, v21;
	v21 =	vand.u32 $0x7F, v33;
	v33 =	vld [tilespmem:$0x1FF80]  }
0x121: {  	v8 =	vor.u32 s26, v38;
	v5 =	vor.u32 v5, v41;
	v17 =	vld [tilespmem:$0x1FF10];
	v1 =	vand.u32 $0xFD00, v1  }
0x122: {  	v60 =	vor.u32 s28, v30;
	v8 =	vand.u32 $0x7F, v8;
	[tilespmem:v55+s13+$0x0] =	vst.idx.msk $0xffff, v58;
	v2 =	vld.idx.msk [tilespmem:v2+s22+$0x0], $0xffff;
	v1 =	vor.u32 v1, v48  }
0x123: {  	v8 =	vor.u32 v8, v57;
	v59 =	vor.u32 s26, v22;
	v12 =	vor.u32 v12, v45;
	v54 =	vld.idx.msk [tilespmem:v54+s22+$0x0], $0xffff  }
0x124: {  	v13 =	vor.u32 v7, v43;
	v7 =	vand.u32 $0x6F, v60;
	v11 =	vor.u32 v21, v57;
	[tilespmem:v10+s13+$0x0] =	vst.idx.msk $0xffff, v9  }
0x125: {  	v21 =	vor.u32 s26, v31;
	v9 =	vor.u32 s26, v35;
	v20 =	vld.idx.msk [tilespmem:v20+s22+$0x0], $0xffff;
	[tilespmem:v0+s13+$0x0] =	vst.idx.msk $0xffff, v4;
	v0 =	vor.u32 v33, v42  }
0x126: {  	v4 =	vor.u32 v7, v6;
	v7 =	vor.u32 v18, v61;
	v3 =	vld.idx.msk [tilespmem:v5+s22+$0x0], $0xffff;
	v0 =	vand.u32 $0xFD00, v0  }
0x127: {  	v5 =	vor.u32 s21, v17;
	v0 =	vor.u32 v0, v43;
	[tilespmem:v1+s13+$0x0] =	vst.idx.msk $0xffff, v2;
	v1 =	vor.u32 v16, v19;
	v16 =	vld [tilespmem:$0x1FFB0]  }
0x128: {  	v21 =	vand.u32 $0x7F, v21;
	v7 =	vand.u32 $0x7FFFFF00, v7;
	v5 =	vand.u32 $0x6F, v5  }
0x129: {  	s21 =	smov.u32 s28;
	[tilespmem:v52+s13+$0x0] =	vst.idx.msk $0xffff, v54;
	v5 =	vor.u32 v5, v41;
	v41 =	vmov v6;
	v6 =	vor.u32 v7, v44  }
0x12a: {  	v58 =	vor.u32 s21, v39;
	v7 =	vor.u32 v21, v57;
	v21 =	vld.idx.msk [tilespmem:v53+s22+$0x0], $0xffff;
	[tilespmem:v12+s13+$0x0] =	vst.idx.msk $0xffff, v20;
	v1 =	vand.u32 $0xFD00, v1  }
0x12b: {  	v12 =	vor.u32 v32, v61;
	v63 =	vld.idx.msk [tilespmem:v4+s22+$0x0], $0xffff;
	v4 =	vor.u32 s21, v38;
	v1 =	vor.u32 v1, v45  }
0x12c: {  	v2 =	vand.u32 $0x7FFFFF00, v62;
	v8 =	vld.idx.msk [tilespmem:v8+s22+$0x0], $0xffff;
	v4 =	vand.u32 $0x6F, v4;
	[tilespmem:v0+s13+$0x0] =	vst.idx.msk $0xffff, v3;
	v0 =	vor.u32 v16, v42  }
0x12d: {  	v3 =	vor.u32 v4, v41;
	v4 =	vor.u32 v2, v49;
	v2 =	vand.u32 $0x7F, v9  }
0x12e: {  	v42 =	vmovc v19;
	v9 =	vor.u32 s26, v24;
	v19 =	vor.u32 v14, v61;
	v0 =	vand.u32 $0xFD00, v0  }
0x12f: {  	[tilespmem:v51+s13+$0x0] =	vst.idx.msk $0xffff, v21;
	v10 =	vld.idx.msk [tilespmem:v5+s22+$0x0], $0xffff;
	v5 =	vor.u32 v2, v57;
	v0 =	vor.u32 v0, v44  }
0x130: {  	v2 =	vor.u32 v40, v61;
	v9 =	vand.u32 $0x7F, v9;
	[tilespmem:v1+s13+$0x0] =	vst.idx.msk $0xffff, v63;
	v1 =	vor.u32 v26, v42  }
0x131: {  	v19 =	vand.u32 $0x7FFFFF00, v19;
	[tilespmem:v13+s13+$0x0] =	vst.idx.msk $0xffff, v8;
	v8 =	vor.u32 v34, v61;
	v1 =	vand.u32 $0xFD00, v1  }
0x132: {  	v2 =	vand.u32 $0x7FFFFF00, v2;
	v62 =	vor.u32 v19, v46;
	v1 =	vor.u32 v1, v43;
	v40 =	vld.idx.msk [tilespmem:v3+s22+$0x0], $0xffff  }
0x133: {  	v8 =	vand.u32 $0x7FFFFF00, v8;
	v3 =	vor.u32 v9, v57;
	v9 =	vand.u32 $0x6F, v58  }
0x134: {  	[tilespmem:v0+s13+$0x0] =	vst.idx.msk $0xffff, v10;
	v0 =	vor.u32 v9, v41;
	v9 =	vand.u32 $0x7F, v59;
	v10 =	vor.u32 s26, v27  }
0x135: {  	v63 =	vor.u32 v9, v57;
	v9 =	vor.u32 v15, v61;
	v10 =	vand.u32 $0x7F, v10  }
0x136: {  	v9 =	vand.u32 $0x7FFFFF00, v9;
	v59 =	vor.u32 v10, v57;
	v10 =	vor.u32 s21, v31  }
0x137: {  	v60 =	vor.u32 v9, v50;
	v9 =	vand.u32 $0x7FFFFF00, v12;
	[tilespmem:v1+s13+$0x0] =	vst.idx.msk $0xffff, v40;
	v1 =	vor.u32 v18, v42  }
0x138: {  	v56 =	vor.u32 v9, v48;
	v9 =	vor.u32 s26, v36;
	v1 =	vand.u32 $0xFD00, v1  }
0x139: {  	v10 =	vand.u32 $0x6F, v10;
	v0 =	vld.idx.msk [tilespmem:v0+s22+$0x0], $0xffff;
	v9 =	vand.u32 $0x7F, v9;
	v1 =	vor.u32 v1, v44  }
0x13a: {  	s25 =	sadd.s32 $0x2, s25;
	v20 =	vld.idx.msk [tilespmem:v11+s22+$0x0], $0xffff;
	v11 =	vor.u32 v33, v61;
	v58 =	vor.u32 v9, v57;
	v9 =	vor.u32 v10, v41  }
0x13b: {  	p2 =	slt.u32 s25, $0x5E;
	v55 =	vor.u32 v8, v45;
	v8 =	vand.u32 $0x7FFFFF00, v11;
	v10 =	vor.u32 s26, v37  }
.Ltmp6:
0x13c: {  	v2 =	vor.u32 v2, v47;
	v52 =	vor.u32 v8, v43;
	v10 =	vand.u32 $0x7F, v10;
	(pc) =	sbr.rel @p2 .LBB2_5-.Ltmp6, $4  }
0x13d: {  	v11 =	vld [tilespmem:$0x1FEE0];
	v8 =	vor.u32 s26, v17;
	v54 =	vor.u32 v10, v57;
	v10 =	vor.u32 v16, v61  }
0x13e: {  	v12 =	vld [tilespmem:$0x1FEF0];
	[tilespmem:v1+s13+$0x0] =	vst.idx.msk $0xffff, v0;
	v0 =	vor.u32 v25, v42;
	v1 =	vand.u32 $0x7F, v8;
	v8 =	vand.u32 $0x7FFFFF00, v10  }
0x13f: {  	v19 =	vld.idx.msk [tilespmem:v9+s22+$0x0], $0xffff;
	v0 =	vand.u32 $0xFD00, v0;
	v9 =	vor.u32 s21, v35;
	v53 =	vor.u32 v1, v57  }
0x140: {  	s26 =	sadd.s32 $0x20, s26;
	v51 =	vor.u32 v8, v44;
	v61 =	vor.u32 v0, v49;
	v57 =	vand.u32 $0x6F, v9;
	v9 =	vld [tilespmem:$0x1FED0]  }
0x141: {  	v14 =	vld [tilespmem:$0x1FF60]  }
0x142: {  	v21 =	vld [tilespmem:$0x1FF70]  }
0x143: {  	v49 =	vmov v35;
	v35 =	vmov v29;
	v29 =	vmov v28;
	v28 =	vld [tilespmem:$0x1FFF0]  }
0x144: {  	v17 =	vld [tilespmem:$0x1FF50]  }
0x145: {  	v15 =	vld [tilespmem:$0x1FFD0];
	[tilespmem:v6+s13+$0x0] =	vst.idx.msk $0xffff, v20  }
0x146: {  	v13 =	vld [tilespmem:$0x1FF90];
	[tilespmem:v61+s13+$0x0] =	vst.idx.msk $0xffff, v19  }
0x147: {  	v40 =	vld [tilespmem:$0x1FF30]  }
0x148: {  	v0 =	vor.u32 v57, v41;
	v1 =	vld.idx.msk [tilespmem:v7+s22+$0x0], $0xffff;
	_ =	sdelay $0x3  }
0x149: {  	v6 =	vor.u32 v13, v42;
	v7 =	vor.u32 s21, v40  }
0x14a: {  	v0 =	vld.idx.msk [tilespmem:v0+s22+$0x0], $0xffff;
	[tilespmem:v4+s13+$0x0] =	vst.idx.msk $0xffff, v1;
	v6 =	vand.u32 $0xFD00, v6;
	v7 =	vand.u32 $0x6F, v7  }
0x14b: {  	v6 =	vor.u32 v6, v47;
	v1 =	vor.u32 v7, v41;
	v7 =	vld [tilespmem:$0x1FF00];
	_ =	sdelay $0x3  }
0x14c: {  	v4 =	vld.idx.msk [tilespmem:v5+s22+$0x0], $0xffff  }
0x14d: {  	[tilespmem:v6+s13+$0x0] =	vst.idx.msk $0xffff, v0;
	v5 =	vor.u32 v7, v42  }
0x14e: {  	v20 =	vld [tilespmem:$0x1FF20];
	v0 =	vand.u32 $0xFD00, v5  }
0x14f: {  	v1 =	vld.idx.msk [tilespmem:v1+s22+$0x0], $0xffff;
	v0 =	vor.u32 v0, v46;
	_ =	sdelay $0x1  }
0x150: {  	[tilespmem:v2+s13+$0x0] =	vst.idx.msk $0xffff, v4  }
0x151: {  	v3 =	vld.idx.msk [tilespmem:v3+s22+$0x0], $0xffff  }
0x152: {  	v22 =	vld [tilespmem:$0x1FFE0];
	v5 =	vor.u32 s21, v20  }
0x153: {  	v5 =	vand.u32 $0x6F, v5;
	[tilespmem:v0+s13+$0x0] =	vst.idx.msk $0xffff, v1  }
0x154: {  	v2 =	vor.u32 v5, v41;
	v24 =	vld [tilespmem:$0x1FF40];
	_ =	sdelay $0x1  }
0x155: {  	[tilespmem:v62+s13+$0x0] =	vst.idx.msk $0xffff, v3  }
0x156: {  	v4 =	vor.u32 v22, v42;
	v3 =	vld.idx.msk [tilespmem:v63+s22+$0x0], $0xffff  }
0x157: {  	v0 =	vand.u32 $0xFD00, v4;
	v16 =	vld [tilespmem:$0x1FFC0]  }
0x158: {  	v0 =	vor.u32 v0, v50;
	v2 =	vld.idx.msk [tilespmem:v2+s22+$0x0], $0xffff;
	v1 =	vor.u32 s21, v24  }
0x159: {  	v1 =	vand.u32 $0x6F, v1  }
0x15a: {  	v1 =	vor.u32 v1, v41;
	_ =	sdelay $0x1  }
0x15b: {  	[tilespmem:v60+s13+$0x0] =	vst.idx.msk $0xffff, v3  }
0x15c: {  	v4 =	vor.u32 v16, v42;
	[tilespmem:v0+s13+$0x0] =	vst.idx.msk $0xffff, v2  }
0x15d: {  	v0 =	vand.u32 $0xFD00, v4;
	v2 =	vor.u32 s21, v36;
	v10 =	vld [tilespmem:$0x1FFA0]  }
0x15e: {  	v0 =	vor.u32 v0, v48;
	v2 =	vand.u32 $0x6F, v2;
	v1 =	vld.idx.msk [tilespmem:v1+s22+$0x0], $0xffff  }
0x15f: {  	v2 =	vor.u32 v2, v41;
	_ =	sdelay $0x2  }
0x160: {  	v3 =	vld.idx.msk [tilespmem:v59+s22+$0x0], $0xffff;
	v4 =	vor.u32 v10, v42  }
0x161: {  	[tilespmem:v0+s13+$0x0] =	vst.idx.msk $0xffff, v1;
	v0 =	vand.u32 $0xFD00, v4  }
0x162: {  	v2 =	vld.idx.msk [tilespmem:v2+s22+$0x0], $0xffff;
	v0 =	vor.u32 v0, v45;
	_ =	sdelay $0x2  }
0x163: {  	[tilespmem:v56+s13+$0x0] =	vst.idx.msk $0xffff, v3  }
0x164: {  	v3 =	vld.idx.msk [tilespmem:v58+s22+$0x0], $0xffff  }
0x165: {  	v1 =	vor.u32 s21, v37;
	v8 =	vld [tilespmem:$0x1FF80];
	[tilespmem:v0+s13+$0x0] =	vst.idx.msk $0xffff, v2  }
0x166: {  	v1 =	vand.u32 $0x6F, v1;
	v45 =	vld [tilespmem:$0x1FF10]  }
0x167: {  	v1 =	vor.u32 v1, v41;
	_ =	sdelay $0x2  }
0x168: {  	v4 =	vor.u32 v8, v42;
	[tilespmem:v55+s13+$0x0] =	vst.idx.msk $0xffff, v3  }
0x169: {  	v0 =	vand.u32 $0xFD00, v4;
	v33 =	vld [tilespmem:$0x1FFB0];
	v2 =	vor.u32 s21, v45  }
0x16a: {  	v1 =	vld.idx.msk [tilespmem:v1+s22+$0x0], $0xffff;
	v0 =	vor.u32 v0, v43;
	v2 =	vand.u32 $0x6F, v2  }
0x16b: {  	v3 =	vld.idx.msk [tilespmem:v54+s22+$0x0], $0xffff;
	v2 =	vor.u32 v2, v41;
	_ =	sdelay $0x2  }
0x16c: {  	v4 =	vor.u32 v33, v42  }
0x16d: {  	[tilespmem:v0+s13+$0x0] =	vst.idx.msk $0xffff, v1;
	v0 =	vand.u32 $0xFD00, v4  }
0x16e: {  	[tilespmem:v52+s13+$0x0] =	vst.idx.msk $0xffff, v3;
	v0 =	vor.u32 v0, v44;
	v1 =	vld.idx.msk [tilespmem:v2+s22+$0x0], $0xffff  }
0x16f: {  	v2 =	vld.idx.msk [tilespmem:v53+s22+$0x0], $0xffff;
	_ =	sdelay $0x1  }
0x170: {  	s20 =	smul.u32 $0xC00, s20;
	_ =	sdelay $0x1  }
0x171: {  	s20 =	sadd.s32 s6, s20;
	v6 =	vmov v37;
	[tilespmem:v0+s13+$0x0] =	vst.idx.msk $0xffff, v1  }
0x172: {  	s23 =	sadd.s32 $0x0, s20;
	v5 =	vmovc v36;
	s21 =	simm.s32 $0x10;
	v44 =	vmovc v7;
	s22 =	sadd.s32 $0x100, s24;
	[tilespmem:v51+s13+$0x0] =	vst.idx.msk $0xffff, v2;
	v1 =	vmov v8;
	v8 =	vmov v10;
	v10 =	vmov v22  }
.LBB2_7:
0x173: {  	[hbm4b:s23+s4] =	stream.linear.scatter [tilespmem:s24], [sflag:$0x2], $0x80, $0x38;
	[tilespmem:$0x1A400] =	vst v63  }
0x174: {  	s23 =	smov.u32 s21;
	s24 =	smov.u32 s22;
	p2 =	sne.s32 s21, $0xBF0  }
.Ltmp7:
0x175: {  	s21 =	sadd.s32 $0x10, s21;
	(pc) =	sbr.rel @p2 .LBB2_7-.Ltmp7, $2  }
0x176: {  	_ =	sdelay $0x2  }
0x177: {  	s22 =	sadd.s32 $0x100, s22;
	s23 =	sadd.s32 s23, s20  }
.Ltmp8:
0x178: {  	(pc) =	sbr.rel .LBB2_9-.Ltmp8, $4  }
0x179: {  	_ = 	snop  }
0x17a: {  	v60 =	vmov v15;
	v62 =	vmov v26;
	v54 =	vmov v17  }
0x17b: {  	v26 =	vmovc v28;
	v22 =	vlaneseq.u32;
	v27 =	vmovc v14;
	v28 =	vmov v29;
	v29 =	vmov v35  }
0x17c: {  	[hbm4b:s23+s4] =	stream.linear.scatter [tilespmem:s24], [sflag:$0x2], $0x80, $0x38;
	v63 =	vmovc v38;
	v34 =	vmovc v39;
	v35 =	vmov v49;
	v36 =	vmov v5;
	v37 =	vmov v6;
	[tilespmem:$0x1A400] =	vst v63  }
.LBB2_11:
0x17d: {  	s28 =	simm.s32 $0x0  }
0x17e: {  	s19 =	simm.s32 $0x0;
	s29 =	simm.s32 $0x380;
	s20 =	simm.s32 $0x80;
	v0 =	vor.u32 s28, v22  }
0x17f: {  	v14 =	vmov v1;
	[tilespmem:s15], [sflag:$0x3] =	stream.linear.gather [hbm4b:s1+s19], $0x2000, $0x38;
	v1 =	vor.u32 s29, v22;
	[tilespmem:$0x1A400] =	vst v63  }
0x180: {  	s30 =	simm.s32 $0x100;
	v2 =	vor.u32 s20, v22;
	_ =	swait.ge [sflag:s16], $0x2000  }
0x181: {  	s31 =	simm.s32 $0x180;
	v4 =	vor.u32 s30, v22;
	[sflag:s16] =	ssyncset.done $0x0  }
0x182: {  	s21 =	simm.s32 $0x200;
	v5 =	vor.u32 s31, v22;
	[sflag:s16] =	ssyncadd.s32 $0xFFFFE000  }
0x183: {  	s22 =	simm.s32 $0x280;
	v6 =	vor.u32 s21, v22;
	v3 =	vld.idx.msk [tilespmem:v0+s15+$0x0], $0xffff  }
0x184: {  	s23 =	simm.s32 $0x300;
	v0 =	vor.u32 s22, v22;
	v1 =	vld.idx.msk [tilespmem:v1+s15+$0x0], $0xffff  }
0x185: {  	s26 =	simm.s32 $0x480;
	v7 =	vor.u32 s23, v22;
	v2 =	vld.idx.msk [tilespmem:v2+s15+$0x0], $0xffff  }
0x186: {  	s24 =	simm.s32 $0x400;
	v61 =	vor.u32 s26, v22;
	v4 =	vld.idx.msk [tilespmem:v4+s15+$0x0], $0xffff  }
0x187: {  	v15 =	vmov v8;
	s25 =	simm.s32 $0x780;
	v8 =	vor.u32 s24, v22;
	v9 =	vld.idx.msk [tilespmem:v5+s15+$0x0], $0xffff  }
0x188: {  	s19 =	simm.s32 $0x1A040;
	s28 =	simm.s32 $0x500;
	v5 =	vor.u32 s25, v22;
	v11 =	vld.idx.msk [tilespmem:v6+s15+$0x0], $0xffff  }
0x189: {  	s29 =	simm.s32 $0x580;
	v12 =	vor.u32 s28, v22;
	v0 =	vld.idx.msk [tilespmem:v0+s15+$0x0], $0xffff;
	[tilespmem:s19+$0x30] =	vst v1  }
0x18a: {  	s21 =	simm.s32 $0x600;
	v43 =	vor.u32 s29, v22;
	v42 =	vld.idx.msk [tilespmem:v7+s15+$0x0], $0xffff;
	[tilespmem:s19+$0xFFFFFFD0] =	vst v2  }
0x18b: {  	s30 =	simm.s32 $0x680;
	v19 =	vor.u32 s21, v22;
	v6 =	vld.idx.msk [tilespmem:v61+s15+$0x0], $0xffff;
	[tilespmem:s19+$0xFFFFFFE0] =	vst v4  }
0x18c: {  	s31 =	simm.s32 $0x700;
	v7 =	vor.u32 s30, v22;
	v2 =	vld.idx.msk [tilespmem:v8+s15+$0x0], $0xffff;
	[tilespmem:s19+$0xFFFFFFF0] =	vst v9  }
0x18d: {  	v5 =	vld.idx.msk [tilespmem:v5+s15+$0x0], $0xffff;
	[tilespmem:s19+$0x0] =	vst v11;
	v4 =	vor.u32 s31, v22  }
0x18e: {  	v17 =	vmov v10;
	s20 =	simm.s32 $0x800;
	s21 =	simm.s32 $0x18;
	v41 =	vld.idx.msk [tilespmem:v12+s15+$0x0], $0xffff;
	[tilespmem:s19+$0x10] =	vst v0  }
.LBB2_12:
0x18f: {  	p1 =	slt.u32 s21, $0x38;
	v0 =	vor.u32 s20, v22;
	s22 =	sadd.s32 $0x80, s20;
	s23 =	sadd.s32 $0x380, s20;
	v1 =	vld.idx.msk [tilespmem:v43+s15+$0x0], $0xffff;
	[tilespmem:s19+$0x20] =	vst v42  }
0x190: {  	s24 =	sadd.s32 $0x180, s20;
	s25 =	sadd.s32 $0x200, s20;
	v8 =	vor.u32 s22, v22;
	s22 =	sadd.s32 $0x100, s20;
	v9 =	vor.u32 s23, v22;
	v10 =	vld.idx.msk [tilespmem:v19+s15+$0x0], $0xffff;
	[tilespmem:s19+$0xFFFFFFC0] =	vst v3  }
0x191: {  	v43 =	vor.u32 s24, v22;
	v19 =	vor.u32 s25, v22;
	s19 =	sadd.s32 $0x80, s19;
	v3 =	vmovc v2;
	v11 =	vor.u32 s22, v22;
	s22 =	sadd.s32 $0x280, s20;
	s20 =	sadd.s32 $0x300, s20;
	v12 =	vld.idx.msk [tilespmem:v7+s15+$0x0], $0xffff  }
0x192: {  	v7 =	vor.u32 s22, v22;
	v42 =	vld.idx.msk [tilespmem:v4+s15+$0x0], $0xffff;
	v4 =	vor.u32 s20, v22;
	[tilespmem:s19+$0x30] =	vst v5  }
.Ltmp9:
0x193: {  	[tilespmem:s19+$0xFFFFFFD0] =	vst v6;
	(pc) =	sbr.rel @p1 .LBB2_12-.Ltmp9, $4  }
0x194: {  	v2 =	vld.idx.msk [tilespmem:v0+s15+$0x0], $0xffff;
	[tilespmem:s19+$0xFFFFFFE0] =	vst v41  }
0x195: {  	v5 =	vld.idx.msk [tilespmem:v9+s15+$0x0], $0xffff;
	[tilespmem:s19+$0xFFFFFFF0] =	vst v1  }
0x196: {  	v6 =	vld.idx.msk [tilespmem:v8+s15+$0x0], $0xffff;
	[tilespmem:s19+$0x0] =	vst v10  }
0x197: {  	s20 =	sshll.u32 s21, $0x7;
	s21 =	sadd.s32 $0x8, s21;
	v41 =	vld.idx.msk [tilespmem:v11+s15+$0x0], $0xffff;
	[tilespmem:s19+$0x10] =	vst v12  }
0x198: {  	_ =	sdelay $0x1  }
0x199: {  	s21 =	sadd.s32 $0x380, s20  }
0x19a: {  	s22 =	sadd.s32 $0x80, s20;
	[tilespmem:s19+$0x20] =	vst v42;
	v1 =	vor.u32 s21, v22  }
0x19b: {  	v0 =	vld.idx.msk [tilespmem:v43+s15+$0x0], $0xffff;
	s25 =	sadd.s32 $0x100, s20;
	[tilespmem:s19+$0xFFFFFFC0] =	vst v3;
	s26 =	sadd.s32 $0x80, s19;
	v8 =	vor.u32 s22, v22  }
0x19c: {  	v9 =	vld.idx.msk [tilespmem:v19+s15+$0x0], $0xffff;
	s28 =	sadd.s32 $0x180, s20;
	v3 =	vor.u32 s25, v22;
	[tilespmem:s26+$0xFFFFFFC0] =	vst v2  }
0x19d: {  	v7 =	vld.idx.msk [tilespmem:v7+s15+$0x0], $0xffff;
	s30 =	sadd.s32 $0x280, s20;
	v59 =	vor.u32 s28, v22;
	[tilespmem:s26+$0x30] =	vst v5  }
0x19e: {  	s29 =	sadd.s32 $0x200, s20;
	v4 =	vld.idx.msk [tilespmem:v4+s15+$0x0], $0xffff;
	v10 =	vor.u32 s30, v22;
	[tilespmem:s26+$0xFFFFFFD0] =	vst v6  }
0x19f: {  	s31 =	sadd.s32 $0x300, s20;
	v6 =	vor.u32 s29, v22;
	[tilespmem:s26+$0xFFFFFFE0] =	vst v41;
	v1 =	vld.idx.msk [tilespmem:v1+s15+$0x0], $0xffff  }
0x1a0: {  	[tilespmem:s26+$0xFFFFFFF0] =	vst v0;
	v0 =	vor.u32 s31, v22;
	v8 =	vld.idx.msk [tilespmem:v8+s15+$0x0], $0xffff  }
0x1a1: {  	[tilespmem:s26+$0x0] =	vst v9;
	v9 =	vor.u32 s20, v22;
	v3 =	vld.idx.msk [tilespmem:v3+s15+$0x0], $0xffff  }
0x1a2: {  	[tilespmem:s26+$0x10] =	vst v7;
	v5 =	vld.idx.msk [tilespmem:v59+s15+$0x0], $0xffff  }
0x1a3: {  	s19 =	sadd.s32 $0x80, s26;
	[tilespmem:s26+$0x20] =	vst v4;
	v2 =	vld.idx.msk [tilespmem:v10+s15+$0x0], $0xffff  }
0x1a4: {  	v61 =	vld.idx.msk [tilespmem:v6+s15+$0x0], $0xffff;
	[tilespmem:s19+$0x30] =	vst v1  }
0x1a5: {  	v0 =	vld.idx.msk [tilespmem:v0+s15+$0x0], $0xffff;
	[tilespmem:s19+$0xFFFFFFD0] =	vst v8  }
0x1a6: {  	v1 =	vld.idx.msk [tilespmem:v9+s15+$0x0], $0xffff;
	[tilespmem:s19+$0xFFFFFFE0] =	vst v3  }
0x1a7: {  	[tilespmem:s19+$0xFFFFFFF0] =	vst v5  }
0x1a8: {  	[tilespmem:s19+$0x10] =	vst v2  }
0x1a9: {  	[tilespmem:s19+$0x0] =	vst v61  }
0x1aa: {  	[tilespmem:s19+$0x20] =	vst v0  }
0x1ab: {  	[tilespmem:s19+$0xFFFFFFC0] =	vst v1  }
0x1ac: {  	[hbm4b:s8+s4] =	stream.linear.scatter [tilespmem:s17], [sflag:$0x3], $0x400, $0x38;
	[tilespmem:$0x1A400] =	vst v63  }
.Ltmp10:
0x1ad: {  	_ = 	snop;
	(pc) =	sbr.rel .LBB2_14-.Ltmp10, $4  }
0x1ae: {  	_ =	swait.ge [sflag:s16], $0x400  }
0x1af: {  	v9 =	vld [tilespmem:$0x1FED0]  }
0x1b0: {  	[sflag:s16] =	ssyncset.done $0x0;
	v11 =	vld [tilespmem:$0x1FEE0]  }
0x1b1: {  	v10 =	vmov v17;
	v8 =	vmov v15;
	v1 =	vmov v14;
	v12 =	vld [tilespmem:$0x1FEF0];
	[sflag:s16] =	ssyncadd.s32 $0xFFFFFC00  }
.LBB2_15:
0x1b2: {  	_ =	sfence.sel $0x180000  }
0x1b3: {  	[bflag:$0x0] =	sbarrier.arrive $0xFFFF  }
0x1b4: {  	p0 =	sne.s32 s2, $0x0;
	_ =	strace $0x90000047  }
0x1b5: {  	s0 =	sadd.s32 @!p0 $0x100000, s3;
	[bflag:$0x2] =	sbarrier.arrive $0xFFFF  }
0x1b6: {  	[sflag:s0] =	ssyncadd.tile.s32 @!p0 $0x1;
	_ =	shalt  }
.Lfunc_end2:
_tile_overlayer_lowered:
.L_overlay_start_2:
0x1b7: {  	(tag) =	ssettag $0x2  }
0x1b8: {  	s0 =	rddreg [dreg:$0x0];
	s2 =	stileid.u32  }
0x1b9: {  	s1 =	rddreg [dreg:$0x1];
	p0 =	sne.s32 s2, $0x0  }
0x1ba: {  	s3 =	rddreg [dreg:$0x2];
	[bflag:$0x3] =	sbarrier.arrive $0xFFFF;
	s2 =	simm.s32 @!p0 $0x1C03  }
0x1bb: {  	[timem:s3], [sflag:s2] =	dma.local @!p0 [hbm:s0], s1  }
0x1bc: {  	s0 =	simm.s32 @!p0 $0x3  }
0x1bd: {  	_ =	swait.ge @!p0 [sflag:s0], s1  }
0x1be: {  	s1 =	ssub.s32 @!p0 $0x0, s1;
	[sflag:s0] =	ssyncset.done @!p0 $0x0  }
0x1bf: {  	[sflag:s0] =	ssyncadd.s32 @!p0 s1  }
0x1c0: {  	[bflag:$0x3] =	sbarrier.arrive $0xFFFF  }
0x1c1: {  	_ =	shalt  }

// kernel: kernel.7.cloned.1.call-start
scs
__scs_entry_jumppad:
0x0: {  	(pc) =	sbr.rel $0x88, $3  }
0x1: {  	(tag) =	ssettag $0x0;
	lr =	simm.s32 $0x1  }
0x2: {  	[smem:$0x3F9F] =	sst lr;
	_ =	strace $0xD0000000  }
0x3: {  	_ = 	snop  }
0x4: {  	_ = 	snop  }
0x5: {  	_ = 	snop  }
0x6: {  	_ = 	snop  }
0x7: {  	_ = 	snop  }
__scs_overlays_trampoline_lowered:
0x8: {  	[smem:$0x3FAE] =	sst s0  }
0x9: {  	[smem:$0x3FAF] =	sst s1  }
0xa: {  	[smem:$0x3FB0] =	sst s2  }
0xb: {  	[smem:$0x3FB1] =	sst s3  }
0xc: {  	[smem:$0x3FB2] =	sst s4  }
0xd: {  	[smem:$0x3FB3] =	sst s5  }
0xe: {  	[smem:$0x3FB4] =	sst s6  }
0xf: {  	[smem:$0x3FB5] =	sst s7  }
0x10: {  	[smem:$0x3FB6] =	sst s8  }
0x11: {  	[smem:$0x3FB7] =	sst s9;
	s0 =	simm.s32 @!p0 $0x0  }
0x12: {  	s1 =	sld [smem:$0x3F9D];
	s0 =	simm.s32 @p0 $0x1  }
0x13: {  	[smem:$0x3FB8] =	sst s0;
	s0 =	simm.s32 @!p1 $0x0  }
0x14: {  	s2 =	sld [smem:$0x3F9C];
	s0 =	simm.s32 @p1 $0x1  }
0x15: {  	[smem:$0x3FB9] =	sst s0;
	s0 =	simm.s32 @!p2 $0x0  }
0x16: {  	s3 =	sld [smem:$0x3FDB];
	s0 =	simm.s32 @p2 $0x1  }
0x17: {  	s4 =	simm.s32 $0x1BF5;
	[smem:$0x3FBB] =	sst s0  }
0x18: {  	s0 =	sld [smem:$0x3F9E];
	_ =	swait.ge [sflag:s4], $0x0  }
0x19: {  	s7 =	sld [smem:$0x3F9F]  }
0x1a: {  	s8 =	sadd.s32 $0xFFFFE003, lr  }
0x1b: {  	s9 =	sadd.s32 $0xFFFFFEF7, lr;
	s5 =	simm.s32 $0xFFFFFFFF;
	p2 =	slt.u32 s8, $0xFFFFF086  }
0x1c: {  	p1 =	slt.u32 s9, $0xF7A;
	s5 =	simm.s32 @!p2 $0x0  }
0x1d: {  	s5 =	simm.s32 @p1 $0x1;
	p0 =	seq.s32 s7, s2  }
0x1e: {  	s7 =	smul.u32 @!p0 $0xF7A, s2;
	p2 =	seq.s32 @!p0 s5, $0x0  }
0x1f: {  	s9 =	smul.u32 $0xF7A, s1;
	s8 =	simm.s32 @!p0 $0x1BF5;
	p2 =	por !p2, p0  }
0x20: {  	[sflag:s8] =	ssyncset.s32 @!p0 $0xFFFFF086;
	s6 =	sadd.s32 @!p0 s3, s7;
	s7 =	simm.s32 @!p0 $0x108  }
0x21: {  	s3 =	sadd.s32 s3, s9;
	s6 =	sadd.s32 @!p0 $0x88, s6;
	s7 =	simm.s32 @p2 $0x1082  }
0x22: {  	[simem:s7], [sflag:s8] =	dma.local @!p0 [hbm:s6], $0xF7A  }
0x23: {  	s9 =	sor.u32 $0xD0000000, s2;
	s6 =	simm.s32 $0x108;
	_ =	swait.ge @!p0 [sflag:s8], $0x0  }
0x24: {  	s3 =	sadd.s32 $0x88, s3;
	s6 =	simm.s32 @!p1 $0x1082;
	[sflag:s4] =	ssyncset.s32 $0xFFFFF086  }
0x25: {  	[simem:s6], [sflag:s4] =	dma.local [hbm:s3], $0xF7A  }
0x26: {  	[smem:$0x3F9F] =	sst s1;
	(tag) =	ssettag s2;
	_ =	strace s9  }
0x27: {  	s1 =	sld [smem:$0x3FAF]  }
0x28: {  	s2 =	sld [smem:$0x3FB0]  }
0x29: {  	s4 =	sld [smem:$0x3FB2]  }
0x2a: {  	p0 =	seq.s32 s5, $0x0;
	s5 =	sld [smem:$0x3FB3]  }
0x2b: {  	s6 =	sld [smem:$0x3FB4]  }
0x2c: {  	s7 =	sld [smem:$0x3FB5]  }
0x2d: {  	s3 =	simm.s32 $0x108;
	s8 =	sld [smem:$0x3FB6]  }
0x2e: {  	s3 =	simm.s32 @!p0 $0x1082;
	s9 =	sld [smem:$0x3FB7]  }
0x2f: {  	lr =	sadd.s32 s0, s3;
	s0 =	sld [smem:$0x3FAE]  }
0x30: {  	s3 =	sld [smem:$0x3FB1]  }
0x31: {  	[smem:$0x3FBA] =	sst s10  }
0x32: {  	s10 =	sld [smem:$0x3FB8];
	_ =	sdelay $0x3  }
0x33: {  	p0 =	seq.s32 s10, $0x1;
	s10 =	sld [smem:$0x3FBA];
	_ =	sdelay $0x3  }
0x34: {  	[smem:$0x3FBA] =	sst s10  }
0x35: {  	s10 =	sld [smem:$0x3FB9];
	_ =	sdelay $0x3  }
0x36: {  	p1 =	seq.s32 s10, $0x1;
	s10 =	sld [smem:$0x3FBA];
	_ =	sdelay $0x3  }
0x37: {  	[smem:$0x3FBA] =	sst s10  }
0x38: {  	s10 =	sld [smem:$0x3FBB]  }
0x39: {  	_ = 	snop;
	(pc) =	sbr.ind lr, $3  }
0x3a: {  	_ = 	snop  }
0x3b: {  	_ = 	snop  }
0x3c: {  	p2 =	seq.s32 s10, $0x1;
	s10 =	sld [smem:$0x3FBA]  }
0x3d: {  	_ =	shalt  }
0x3e: {  	_ =	shalt  }
0x3f: {  	_ =	shalt  }
0x40: {  	_ =	shalt  }
0x41: {  	_ =	shalt  }
0x42: {  	_ =	shalt  }
0x43: {  	_ =	shalt  }
0x44: {  	_ =	shalt  }
0x45: {  	_ =	shalt  }
0x46: {  	_ =	shalt  }
0x47: {  	_ =	shalt  }
0x48: {  	_ =	shalt  }
0x49: {  	_ =	shalt  }
0x4a: {  	_ =	shalt  }
0x4b: {  	_ =	shalt  }
0x4c: {  	_ =	shalt  }
0x4d: {  	_ =	shalt  }
0x4e: {  	_ =	shalt  }
0x4f: {  	_ =	shalt  }
0x50: {  	_ =	shalt  }
0x51: {  	_ =	shalt  }
0x52: {  	_ =	shalt  }
0x53: {  	_ =	shalt  }
0x54: {  	_ =	shalt  }
0x55: {  	_ =	shalt  }
0x56: {  	_ =	shalt  }
0x57: {  	_ =	shalt  }
0x58: {  	_ =	shalt  }
0x59: {  	_ =	shalt  }
0x5a: {  	_ =	shalt  }
0x5b: {  	_ =	shalt  }
0x5c: {  	_ =	shalt  }
0x5d: {  	_ =	shalt  }
0x5e: {  	_ =	shalt  }
0x5f: {  	_ =	shalt  }
0x60: {  	_ =	shalt  }
0x61: {  	_ =	shalt  }
0x62: {  	_ =	shalt  }
0x63: {  	_ =	shalt  }
0x64: {  	_ =	shalt  }
0x65: {  	_ =	shalt  }
0x66: {  	_ =	shalt  }
0x67: {  	_ =	shalt  }
0x68: {  	_ =	shalt  }
0x69: {  	_ =	shalt  }
0x6a: {  	_ =	shalt  }
0x6b: {  	_ =	shalt  }
0x6c: {  	_ =	shalt  }
0x6d: {  	_ =	shalt  }
0x6e: {  	_ =	shalt  }
0x6f: {  	_ =	shalt  }
0x70: {  	_ =	shalt  }
0x71: {  	_ =	shalt  }
0x72: {  	_ =	shalt  }
0x73: {  	_ =	shalt  }
0x74: {  	_ =	shalt  }
0x75: {  	_ =	shalt  }
0x76: {  	_ =	shalt  }
0x77: {  	_ =	shalt  }
0x78: {  	_ =	shalt  }
0x79: {  	_ =	shalt  }
0x7a: {  	_ =	shalt  }
0x7b: {  	_ =	shalt  }
0x7c: {  	_ =	shalt  }
0x7d: {  	_ =	shalt  }
0x7e: {  	_ =	shalt  }
0x7f: {  	_ =	shalt  }
0x80: {  	_ =	shalt  }
0x81: {  	_ =	shalt  }
0x82: {  	_ =	shalt  }
0x83: {  	_ =	shalt  }
0x84: {  	_ =	shalt  }
0x85: {  	_ =	shalt  }
0x86: {  	_ =	shalt  }
0x87: {  	_ =	shalt  }
.Lfunc_end0:
.L_simem_size_0:
called_computation.1_lowered:
.L_overlay_start_0:
0x88: {  	s2 =	sld [smem:$0x3FD9]  }
0x89: {  	s3 =	sld [smem:$0x3FFE];
	_ =	sdelay $0x1  }
0x8a: {  	s1 =	srdreg.scid  }
0x8b: {  	s0 =	sand.u32 $0x1, s1  }
0x8c: {  	s17 =	sshll.u32 s0, $0xA;
	s2 =	sadd.s32 s3, s2  }
0x8d: {  	s2 =	sadd.s32 s2, s17  }
0x8e: {  	[smem:$0x3FC6] =	sst s2  }
0x8f: {  	_ = 	snop  }
0x90: {  	s2 =	sld [smem:$0x3FD0];
	(tm) =	ssettm $0x1  }
0x91: {  	s18 =	sld [smem:$0x3FFB];
	_ =	sdelay $0x3  }
0x92: {  	_ =	strace s18  }
0x93: {  	s3 =	sld [smem:$0x3FFC];
	_ =	sdelay $0x3  }
0x94: {  	_ =	strace s3  }
0x95: {  	s3 =	sld [smem:$0x3FFD];
	_ =	sdelay $0x3  }
0x96: {  	_ =	strace s3  }
0x97: {  	_ =	strace $0x8FFFFFFF  }
0x98: {  	s19 =	sld [smem:$0x3FDB];
	_ =	sdelay $0x1  }
0x99: {  	s4 =	simm.s32 $_scs_section_size  }
0x9a: {  	s5 =	simm.s32 $_size__tile_overlayer_lowered;
	s6 =	simm.s32 $_tile_overlayer_lowered  }
0x9b: {  	s22 =	simm.s32 $0x1BFF;
	s21 =	sshll.u32 s6, $0x1;
	s3 =	sadd.s32 s4, s19  }
0x9c: {  	s7 =	simm.s32 $0x0;
	s20 =	sshll.u32 s5, $0x1;
	s5 =	sadd.s32 s21, s3  }
0x9d: {  	[timem:s7], [sflag:s22] =	dma.local [hbm:s5], s20  }
0x9e: {  	_ =	swait.ge [sflag:s22], s20  }
0x9f: {  	s4 =	ssub.s32 $0x0, s20;
	[sflag:s22] =	ssyncset.done $0x0  }
0xa0: {  	[sflag:s22] =	ssyncadd.s32 s4;
	_ =	sdelay $0x1  }
0xa1: {  	s23 =	simm.s32 $0x1B8B  }
0xa2: {  	_ =	swait.ge [sflag:s23], $0x1  }
0xa3: {  	[sflag:s23] =	ssyncset.done $0x0  }
0xa4: {  	s25 =	simm.s32 $0x1B8E;
	s24 =	sld [smem:$0x3FFE];
	[sflag:s23] =	ssyncadd.s32 $0xFFFFFFFF  }
0xa5: {  	s26 =	simm.s32 $execute0_lowered;
	[smem:$0x3FD2] =	sst s25  }
0xa6: {  	s5 =	sshll.u32 s26, $0x1;
	_ =	strace $0x80000049;
	[dreg:$0x1] =	wrdreg $0xFFFFFFFF  }
0xa7: {  	s28 =	simm.s32 $_size_execute0_lowered;
	s3 =	sadd.s32 s3, s5;
	[dreg:$0x0] =	wrdreg $0x0  }
0xa8: {  	s5 =	sshll.u32 s28, $0x1;
	[dreg:$0x2] =	wrdreg s3  }
0xa9: {  	[dreg:$0x3] =	wrdreg s5  }
0xaa: {  	[dreg:$0x4] =	wrdreg $0xC0  }
0xab: {  	_ =	task [dreg:s7], $0x5FFFF  }
0xac: {  	[dreg:$0x1] =	wrdreg $0xFFFFFFFF  }
0xad: {  	[dreg:$0x0] =	wrdreg $0x60  }
0xae: {  	[dreg:$0x2] =	wrdreg s24  }
0xaf: {  	[dreg:$0x3] =	wrdreg s2  }
0xb0: {  	[dreg:$0x4] =	wrdreg $0x9  }
0xb1: {  	_ =	task.clear_ibuf [dreg:s7], $0x5FFFF;
	_ =	strace $0x90000049  }
0xb2: {  	s29 =	simm.s32 $0x9;
	_ =	strace $0x8000004B  }
0xb3: {  	_ =	swait.ge [sflag:s29], $0x1  }
0xb4: {  	[sflag:s29] =	ssyncadd.s32 $0xFFFFFFFF  }
0xb5: {  	_ =	strace $0x9000004B  }
0xb6: {  	_ =	sfence  }
0xb7: {  	s30 =	sld [smem:$0x0];
	_ =	sdelay $0x2  }
0xb8: {  	s31 =	sshll.u32 s1, $0xD;
	s1 =	sshrl.u32 s1, $0x2  }
0xb9: {  	s3 =	sand.u32 $0x4000, s31;
	s1 =	sadd.s32 s1, s30  }
0xba: {  	s0 =	sor.u32 s3, s0;
	s1 =	sshll.u32 s1, $0x11  }
0xbb: {  	s0 =	sor.u32 s1, s0  }
0xbc: {  	s0 =	sadd.s32 $0x8F2B, s0  }
0xbd: {  	[sflag:s0] =	ssyncadd.remote.s32 $0x1  }
0xbe: {  	_ =	sfence.sel $0xFFFF  }
0xbf: {  	[dreg:$0x0] =	wrdreg $0xFFFFFFFF;
	(pc) =	sbr.abs _section_cstart, $3  }
0xc0: {  	[dreg:$0x1] =	wrdreg $0xFFFFFFFF  }
0xc1: {  	_ =	task.clear_ibuf [dreg:s7], $0x2FFFF;
	_ =	strace $0x9FFFFFFF  }
0xc2: {  	(tm) =	ssettm $0x7FFFFFFF  }
0xc3: {  	_ =	shalt  }
tec
execute0_lowered:
.L_overlay_start_1:
0x0: {  	(tag) =	ssettag $0x1  }
0x1: {  	v0 =	vimm.s32 $0x2380;
	vm0 =	vcmask $0x300  }
0x2: {  	vm14 =	vcmask $0x704;
	v0 =	vsel vm0, $0x0, v0  }
0x3: {  	vm15 =	vcmask $0xB08;
	v0 =	vsel vm14, $0x80, v0  }
0x4: {  	s5 =	rddreg [dreg:$0x0];
	vm4 =	vcmask $0xF0C;
	v0 =	vsel vm15, $0x100, v0  }
0x5: {  	s1 =	rddreg [dreg:$0x1];
	s2 =	simm.s32 $0x0;
	vm5 =	vcmask $0x1310;
	s6 =	srdreg.scid;
	v0 =	vsel vm4, $0x180, v0  }
0x6: {  	s0 =	stileid.u32;
	vm6 =	vcmask $0x1714;
	s12 =	simm.s32 $0x400;
	s13 =	simm.s32 $0x800;
	v0 =	vsel vm5, $0x200, v0  }
0x7: {  	vm7 =	vcmask $0x1B18;
	s14 =	simm.s32 $0x2;
	s15 =	simm.s32 $0x3;
	s16 =	simm.s32 $0x0;
	v0 =	vsel vm6, $0x280, v0  }
0x8: {  	vm8 =	vcmask $0x1F1C;
	[smem:$0x7FF] =	sst s2;
	s4 =	sadd.s32 $0xA00, s5;
	s6 =	sand.u32 $0x1, s6;
	v0 =	vsel vm7, $0x300, v0  }
0x9: {  	vm9 =	vcmask $0x2320;
	s7 =	sshll.u32 s0, $0x1;
	s8 =	sadd.s32 $0x1E9000, s5;
	s10 =	sshll.u32 s0, $0x8;
	v0 =	vsel vm8, $0x380, v0  }
0xa: {  	vm10 =	vcmask $0x2724;
	s28 =	sshll.u32 s0, $0xC;
	_ =	strace $0x8000004A;
	s25 =	ssub.s32 $0x2, s6;
	v0 =	vsel vm9, $0x2000, v0  }
0xb: {  	vm11 =	vcmask $0x2B28;
	s7 =	sor.u32 s6, s7;
	s10 =	sand.u32 $0xE00, s10;
	s30 =	sand.u32 $0xE000, s28;
	v0 =	vsel vm10, $0x2080, v0  }
0xc: {  	vm12 =	vcmask $0x2F2C;
	s26 =	sshrl.u32 s25, $0x1;
	s9 =	sshll.u32 s7, $0x7;
	s29 =	sshll.u32 s7, $0xA;
	v0 =	vsel vm11, $0x2100, v0  }
0xd: {  	vm13 =	vcmask $0x3330;
	s11 =	ssub.s32 s25, s26;
	s5 =	sadd.s32 s8, s9;
	s9 =	sand.u32 $0x180, s9;
	v0 =	vsel vm12, $0x2180, v0  }
0xe: {  	vm14 =	vcmask $0x3734;
	s8 =	sadd.s32 s10, s8;
	s31 =	sand.u32 $0xC00, s29;
	s6 =	sadd.s32 $0x1000, s5;
	v1 =	vsel vm13, $0x2200, v0  }
0xf: {  	vm15 =	vcmask $0x3B38;
	s8 =	sadd.s32 s9, s8;
	s9 =	sadd.s32 $0x1000, s1;
	s10 =	smax.u32 s11, $0x1;
	v0 =	vlaneseq.u32;
	v1 =	vsel vm14, $0x2280, v1  }
0x10: {  	s11 =	simm.s32 $0x1;
	s7 =	sadd.s32 $0x2000, s8;
	s8 =	sor.u32 s31, s30;
	v2 =	vand.u32 $0x7, v0;
	v1 =	vsel vm15, $0x2300, v1  }
.LBB2_1:
0x11: {  	[tilespmem:s2], [sflag:$0x1] =	stream.linear.gather [hbm4b:s5+s2], $0x400, $0x38;
	[tilespmem:$0x10800] =	vst v63  }
0x12: {  	_ =	swait.ge [sflag:s11], $0x400  }
0x13: {  	[sflag:s11] =	ssyncset.done $0x0  }
0x14: {  	[sflag:s11] =	ssyncadd.s32 $0xFFFFFC00  }
0x15: {  	[tilespmem:s13], [sflag:$0x2] =	stream.indirect.gather [hbm4b:s4+s12], $0x10, s2, s12, $0xb8;
	[tilespmem:$0x10800] =	vst v63  }
0x16: {  	s18 =	simm.s32 $0x0  }
0x17: {  	[tilespmem:s12], [sflag:$0x1] =	stream.linear.gather [hbm4b:s6+s2], $0x400, $0x38;
	[tilespmem:$0x10800] =	vst v63  }
.LBB2_2:
0x18: {  	p0 =	seq.s32 s18, $0x18  }
0x19: {  	s17 =	sadd.s32 $0x1, s18;
	s0 =	simm.s32 $0x1;
	s3 =	simm.s32 $0x0  }
0x1a: {  	s23 =	simm.s32 $0x2;
	s24 =	simm.s32 $0x3;
	s19 =	simm.s32 @!p0 $0x1  }
0x1b: {  	s26 =	simm.s32 $0x6;
	s20 =	sand.u32 @!p0 $0x1, s17;
	_ =	swait.ge @!p0 [sflag:s19], $0x400  }
0x1c: {  	s21 =	sshll.u32 @!p0 s20, $0xA;
	s20 =	sshll.u32 @!p0 s20, $0xE;
	[sflag:s19] =	ssyncset.done @!p0 $0x0  }
0x1d: {  	[sflag:s19] =	ssyncadd.s32 @!p0 $0xFFFFFC00;
	s19 =	sor.u32 @!p0 $0x800, s20;
	s20 =	simm.s32 @!p0 $0x400  }
0x1e: {  	[tilespmem:s19], [sflag:$0x2] =	stream.indirect.gather @!p0 [hbm4b:s4+s20], $0x10, s21, s20, $0xb8;
	[tilespmem:$0x10800] =	vst v63  }
0x1f: {  	v3 =	vadd.s32 s0, v0;
	v4 =	vadd.s32 s23, v0;
	s22 =	sand.u32 $0x3F0, s3;
	v7 =	vadd.s32 s3, v0;
	s23 =	simm.s32 $0x4;
	p0 =	sgt.u32 s18, $0x16  }
0x20: {  	v6 =	vadd.s32 s24, v0;
	v13 =	vadd.s32 s26, v0;
	v3 =	vand.u32 $0xF, v3;
	_ =	swait.ge [sflag:s14], $0x4000;
	s19 =	sshll.u32 @!p0 s18, $0xA;
	s20 =	sshll.u32 @!p0 s18, $0xC  }
0x21: {  	v4 =	vand.u32 $0xF, v4;
	v9 =	vand.u32 $0xF, v7;
	v10 =	vadd.s32 s23, v0;
	s21 =	simm.s32 @!p0 $0x0;
	p1 =	slt.u32 @!p0 s18, $0x2;
	[sflag:s14] =	ssyncset.done $0x0  }
0x22: {  	v13 =	vand.u32 $0xF, v13;
	v5 =	vor.u32 s22, v3;
	v8 =	vor.u32 s22, v4;
	s19 =	sand.u32 @!p0 $0x400, s19;
	s20 =	sadd.s32 @!p0 s20, s7;
	[sflag:s14] =	ssyncadd.s32 $0xFFFFC000  }
0x23: {  	v9 =	vor.u32 s22, v9;
	v15 =	vor.u32 s22, v13;
	v5 =	vshll.u32 v5, $0x4;
	[tilespmem:s19], [sflag:$0x1] =	stream.linear.gather @!p0 [hbm4b:s20+s21], $0x400, $0x38;
	[tilespmem:$0x10800] =	vst v63  }
0x24: {  	s28 =	simm.s32 $0x5;
	v12 =	vshll.u32 v8, $0x4;
	v11 =	vor.u32 v0, v5;
	v5 =	vand.u32 $0xF, v6;
	p0 =	por p0, !p1  }
0x25: {  	s25 =	simm.s32 $0x7;
	v14 =	vshll.u32 v9, $0x4;
	v9 =	vadd.s32 s28, v0;
	v8 =	vor.u32 s22, v5;
	_ =	swait.ge @p0 [sflag:s15], $0x2000  }
0x26: {  	v15 =	vshll.u32 v15, $0x4;
	v6 =	vadd.s32 s25, v0;
	v8 =	vshll.u32 v8, $0x4;
	[sflag:s15] =	ssyncset.done @p0 $0x0  }
0x27: {  	v9 =	vand.u32 $0xF, v9;
	v18 =	vor.u32 v0, v15;
	v19 =	vor.u32 v0, v8;
	[sflag:s15] =	ssyncadd.s32 @p0 $0xFFFFE000  }
0x28: {  	s29 =	sand.u32 $0x1, s18;
	s30 =	sand.u32 $0x1C00, s3;
	v8 =	vand.u32 $0xF, v10;
	v10 =	vand.u32 $0xF, v6;
	v6 =	vor.u32 s22, v9;
	_ =	swait.ge @p0 [sflag:s15], $0x2000  }
0x29: {  	v14 =	vor.u32 v0, v14;
	v16 =	vor.u32 s22, v10;
	s19 =	sshll.u32 s29, $0xE;
	v17 =	vshll.u32 v6, $0x4;
	s21 =	sand.u32 $0x70, s3;
	[sflag:s15] =	ssyncset.done @p0 $0x0  }
0x2a: {  	v15 =	vshll.u32 v16, $0x4;
	s20 =	sor.u32 $0x800, s19;
	v16 =	vor.u32 v0, v12;
	v12 =	vor.u32 s22, v8;
	s31 =	sor.u32 s21, s30;
	[sflag:s15] =	ssyncadd.s32 @p0 $0xFFFFE000  }
0x2b: {  	v20 =	vshll.u32 v12, $0x4;
	v12 =	vor.u32 v0, v15;
	v15 =	vor.u32 s31, v1;
	v6 =	vld.idx.msk [tilespmem:v11+s20+$0x0], $0xffff  }
0x2c: {  	s26 =	simm.s32 $0x8;
	s21 =	sor.u32 $0x8800, s19;
	s22 =	simm.s32 $0x40;
	v11 =	vor.u32 v0, v17;
	v17 =	vand.u32 $0x8, v7;
	v7 =	vld.idx.msk [tilespmem:v19+s20+$0x0], $0xffff;
	v19 =	vor.u32 v0, v20  }
.LBB2_3:
0x2d: {  	s24 =	sadd.s32 $0x1, s26  }
0x2e: {  	s28 =	sadd.s32 $0x2, s26;
	s29 =	sadd.s32 $0x7, s26;
	v20 =	vor.u32 v8, v15;
	v8 =	vor.u32 v13, v15;
	v21 =	vor.u32 v10, v15;
	s25 =	smov.u32 s26  }
0x2f: {  	s23 =	sand.u32 $0x1C00, s22;
	s30 =	sadd.s32 $0x6, s26;
	v22 =	vor.u32 v9, v15;
	v10 =	vadd.s32 s24, v0;
	v13 =	vadd.s32 s28, v0;
	s28 =	sadd.s32 $0x3, s26;
	v9 =	vld.idx.msk [tilespmem:v18+s20+$0x0], $0xffff  }
0x30: {  	v23 =	vadd.s32 s25, v0;
	s31 =	sadd.s32 $0x4, s25;
	s0 =	sadd.s32 $0x5, s25;
	s24 =	sadd.s32 $0x8, s26;
	v18 =	vor.u32 v5, v15;
	v13 =	vand.u32 $0xF, v13;
	v14 =	vld.idx.msk [tilespmem:v14+s20+$0x0], $0xffff  }
0x31: {  	p0 =	slt.u32 s26, $0x3F8;
	v24 =	vor.u32 v3, v15;
	s3 =	sand.u32 $0x3F0, s25;
	v5 =	vadd.s32 s28, v0;
	v3 =	vand.u32 $0xF, v10;
	v10 =	vld.idx.msk [tilespmem:v16+s20+$0x0], $0xffff  }
0x32: {  	v26 =	vor.u32 v4, v15;
	v16 =	vor.u32 s3, v3;
	v25 =	vor.u32 s3, v13;
	v4 =	vmovc v13;
	v19 =	vld.idx.msk [tilespmem:v19+s20+$0x0], $0xffff  }
0x33: {  	v15 =	vor.u32 v15, v17;
	v13 =	vand.u32 $0xF, v23;
	v16 =	vshll.u32 v16, $0x4;
	v12 =	vld.idx.msk [tilespmem:v12+s20+$0x0], $0xffff  }
0x34: {  	v17 =	vadd.s32 s29, v0;
	v5 =	vand.u32 $0xF, v5;
	v16 =	vor.u32 v0, v16;
	v11 =	vld.idx.msk [tilespmem:v11+s20+$0x0], $0xffff  }
0x35: {  	v28 =	vadd.s32 s31, v0;
	v25 =	vshll.u32 v25, $0x4;
	v27 =	vor.u32 s3, v5;
	[tilespmem:v8+s21+$0x0] =	vst.idx.msk $0xffff, v9  }
0x36: {  	v15 =	vor.u32 v2, v15;
	v8 =	vshll.u32 v27, $0x4;
	v9 =	vadd.s32 s30, v0;
	[tilespmem:v24+s21+$0x0] =	vst.idx.msk $0xffff, v6  }
0x37: {  	v6 =	vor.u32 s3, v13;
	v24 =	vor.u32 v0, v8;
	v8 =	vand.u32 $0xF, v28;
	[tilespmem:v26+s21+$0x0] =	vst.idx.msk $0xffff, v10  }
0x38: {  	v13 =	vand.u32 $0xF, v9;
	v26 =	vshll.u32 v6, $0x4;
	v10 =	vadd.s32 s0, v0;
	[tilespmem:v20+s21+$0x0] =	vst.idx.msk $0xffff, v19  }
0x39: {  	v9 =	vand.u32 $0xF, v10;
	v10 =	vand.u32 $0xF, v17;
	v6 =	vld.idx.msk [tilespmem:v16+s20+$0x0], $0xffff;
	v16 =	vor.u32 s3, v13;
	[tilespmem:v18+s21+$0x0] =	vst.idx.msk $0xffff, v7  }
.Ltmp0:
0x3a: {  	v7 =	vor.u32 s3, v9;
	v17 =	vor.u32 s3, v10;
	v16 =	vshll.u32 v16, $0x4;
	[tilespmem:v22+s21+$0x0] =	vst.idx.msk $0xffff, v11;
	(pc) =	sbr.rel @p0 .LBB2_3-.Ltmp0, $4  }
0x3b: {  	v7 =	vshll.u32 v7, $0x4;
	v17 =	vshll.u32 v17, $0x4;
	v18 =	vor.u32 v0, v16;
	[tilespmem:v15+s21+$0x0] =	vst.idx.msk $0xffff, v14  }
0x3c: {  	s0 =	sand.u32 $0x70, s25;
	v11 =	vor.u32 s3, v8;
	v14 =	vor.u32 v0, v26;
	v16 =	vor.u32 v0, v25;
	[tilespmem:v21+s21+$0x0] =	vst.idx.msk $0xffff, v12  }
0x3d: {  	s0 =	sor.u32 s0, s23;
	v19 =	vshll.u32 v11, $0x4;
	v11 =	vor.u32 v0, v7;
	v12 =	vor.u32 v0, v17  }
0x3e: {  	s22 =	sadd.s32 $0x40, s22;
	s26 =	smov.u32 s24;
	v15 =	vor.u32 s0, v1;
	v17 =	vand.u32 $0x8, v23;
	v19 =	vor.u32 v0, v19;
	v7 =	vld.idx.msk [tilespmem:v24+s20+$0x0], $0xffff  }
0x3f: {  	_ =	sdelay $0x3  }
0x40: {  	v13 =	vor.u32 v13, v15;
	v18 =	vld.idx.msk [tilespmem:v18+s20+$0x0], $0xffff  }
0x41: {  	v3 =	vor.u32 v3, v15  }
0x42: {  	v16 =	vld.idx.msk [tilespmem:v16+s20+$0x0], $0xffff;
	v4 =	vor.u32 v4, v15  }
0x43: {  	v8 =	vor.u32 v8, v15;
	v19 =	vld.idx.msk [tilespmem:v19+s20+$0x0], $0xffff  }
0x44: {  	v5 =	vor.u32 v5, v15  }
0x45: {  	v9 =	vor.u32 v9, v15;
	v17 =	vor.u32 v15, v17;
	v11 =	vld.idx.msk [tilespmem:v11+s20+$0x0], $0xffff;
	[tilespmem:v13+s21+$0x0] =	vst.idx.msk $0xffff, v18  }
0x46: {  	v61 =	vld.idx.msk [tilespmem:v14+s20+$0x0], $0xffff;
	v62 =	vor.u32 v2, v17;
	[tilespmem:v3+s21+$0x0] =	vst.idx.msk $0xffff, v6  }
0x47: {  	v63 =	vld.idx.msk [tilespmem:v12+s20+$0x0], $0xffff;
	v3 =	vor.u32 v10, v15;
	[tilespmem:v4+s21+$0x0] =	vst.idx.msk $0xffff, v16  }
0x48: {  	[tilespmem:v8+s21+$0x0] =	vst.idx.msk $0xffff, v19  }
0x49: {  	[tilespmem:v5+s21+$0x0] =	vst.idx.msk $0xffff, v7  }
0x4a: {  	s0 =	sshll.u32 s18, $0x10;
	p0 =	sne.s32 s17, $0x19;
	[tilespmem:v9+s21+$0x0] =	vst.idx.msk $0xffff, v11  }
.Ltmp1:
0x4b: {  	s0 =	sor.u32 s8, s0;
	[tilespmem:v62+s21+$0x0] =	vst.idx.msk $0xffff, v61;
	(pc) =	sbr.rel @p0 .LBB2_2-.Ltmp1, $4  }
0x4c: {  	s3 =	sadd.s32 s1, s0;
	[tilespmem:v3+s21+$0x0] =	vst.idx.msk $0xffff, v63  }
0x4d: {  	[hbm4b:s3+s2] =	stream.linear.scatter [tilespmem:s21], [sflag:$0x3], $0x2000, $0x38;
	[tilespmem:$0x10800] =	vst v63  }
0x4e: {  	s31 =	sor.u32 $0xA800, s19;
	s18 =	smov.u32 s17;
	s0 =	sadd.s32 s0, s9  }
0x4f: {  	[hbm4b:s0+s2] =	stream.linear.scatter [tilespmem:s31], [sflag:$0x3], $0x2000, $0x38;
	[tilespmem:$0x10800] =	vst v63  }
0x50: {  	_ =	swait.ge [sflag:s15], $0x2000  }
0x51: {  	[sflag:s15] =	ssyncset.done $0x0  }
0x52: {  	[sflag:s15] =	ssyncadd.s32 $0xFFFFE000  }
0x53: {  	_ =	swait.ge [sflag:s15], $0x2000  }
0x54: {  	[sflag:s15] =	ssyncset.done $0x0  }
0x55: {  	s16 =	sadd.s32 $0x1, s16;
	[sflag:s15] =	ssyncadd.s32 $0xFFFFE000  }
0x56: {  	p0 =	sne.s32 s16, s10;
	_ =	swait.ge [sflag:s15], $0x2000  }
.Ltmp2:
0x57: {  	[sflag:s15] =	ssyncset.done $0x0;
	(pc) =	sbr.rel @p0 .LBB2_1-.Ltmp2, $4  }
0x58: {  	[sflag:s15] =	ssyncadd.s32 $0xFFFFE000  }
0x59: {  	_ =	swait.ge [sflag:s15], $0x2000  }
0x5a: {  	[sflag:s15] =	ssyncset.done $0x0  }
0x5b: {  	[sflag:s15] =	ssyncadd.s32 $0xFFFFE000  }
0x5c: {  	_ =	sfence.sel $0x180000  }
0x5d: {  	[bflag:$0x0] =	sbarrier.arrive $0xFFFF  }
0x5e: {  	_ =	strace $0x9000004A  }
0x5f: {  	s0 =	stileid.u32;
	[bflag:$0x2] =	sbarrier.arrive $0xFFFF  }
0x60: {  	p0 =	sne.s32 s0, $0x0;
	s0 =	rddreg [dreg:$0x2]  }
0x61: {  	s0 =	sadd.s32 @!p0 $0x100000, s0  }
0x62: {  	[sflag:s0] =	ssyncadd.tile.s32 @!p0 $0x1;
	_ =	shalt  }
.Lfunc_end2:
_tile_overlayer_lowered:
.L_overlay_start_2:
0x63: {  	(tag) =	ssettag $0x2  }
0x64: {  	s0 =	rddreg [dreg:$0x0];
	s2 =	stileid.u32  }
0x65: {  	s1 =	rddreg [dreg:$0x1];
	p0 =	sne.s32 s2, $0x0  }
0x66: {  	s3 =	rddreg [dreg:$0x2];
	[bflag:$0x3] =	sbarrier.arrive $0xFFFF;
	s2 =	simm.s32 @!p0 $0x1C04  }
0x67: {  	[timem:s3], [sflag:s2] =	dma.local @!p0 [hbm:s0], s1  }
0x68: {  	s0 =	simm.s32 @!p0 $0x4  }
0x69: {  	_ =	swait.ge @!p0 [sflag:s0], s1  }
0x6a: {  	s1 =	ssub.s32 @!p0 $0x0, s1;
	[sflag:s0] =	ssyncset.done @!p0 $0x0  }
0x6b: {  	[sflag:s0] =	ssyncadd.s32 @!p0 s1  }
0x6c: {  	[bflag:$0x3] =	sbarrier.arrive $0xFFFF  }
0x6d: {  	_ =	shalt  }

</sc_bundles>
